<compile_context>
chip_gen: v7x
topology: tpu7x:2x2x1
jax: 0.10.2.dev20260603
libtpu: 0.0.44.dev20260713+nightly
codegen_flags: <defaults>
</compile_context>

<pallas_src>
import functools

import jax
import jax.numpy as jnp
from jax import lax
from jax.experimental import pallas as pl
from jax.experimental.pallas import tpu as pltpu
from jax.experimental.pallas import tpu_sc as plsc

ROWS = 16384
COLS = 200
L = 16
VOCAB_PAD = 32
NC, NS = 2, 16
NW = NC * NS
ROWS_PER_W = ROWS // NW
CHUNK = 128
NCHUNK = ROWS_PER_W // CHUNK
FULL = COLS // L
TAIL_OFF = COLS - L
TAIL_DUP = FULL * L - TAIL_OFF

_mesh = plsc.VectorSubcoreMesh(
    core_axis_name="c", subcore_axis_name="s", num_cores=NC, num_subcores=NS
)


@functools.partial(
    pl.kernel,
    out_type=jax.ShapeDtypeStruct((ROWS,), jnp.float32),
    mesh=_mesh,
    compiler_params=pltpu.CompilerParams(needs_layout_passes=False),
    scratch_types=[
        pltpu.VMEM((CHUNK * COLS,), jnp.int32),
        pltpu.VMEM((CHUNK * COLS,), jnp.int32),
        pltpu.VMEM((VOCAB_PAD, L), jnp.float32),
        pltpu.VMEM((ROWS_PER_W,), jnp.float32),
        pltpu.SemaphoreType.DMA,
        pltpu.SemaphoreType.DMA,
    ],
)
def _sc_kernel(seq_hbm, tab_hbm, out_hbm, seq_v0, seq_v1, tab_v, out_v, sem0, sem1):
    wid = lax.axis_index("s") * NC + lax.axis_index("c")
    row0 = wid * ROWS_PER_W

    pltpu.sync_copy(tab_hbm, tab_v)

    sems = (sem0, sem1)

    bufs = (seq_v0, seq_v1)

    def start(c, buf):
        return pltpu.async_copy(
            seq_hbm.at[pl.ds((row0 + c * CHUNK) * COLS, CHUNK * COLS)],
            bufs[buf],
            sems[buf],
        )

    pending = start(0, 0)
    for c in range(NCHUNK):
        buf = c % 2
        pending.wait()
        if c + 1 < NCHUNK:
            pending = start(c + 1, 1 - buf)
        sv = bufs[buf]

        def pair_body(g, _, sv=sv, c=c):
            base = g * (2 * COLS)
            lanes = lax.iota(jnp.int32, L)
            low_keep = (lanes < TAIL_DUP).astype(jnp.float32)
            high_keep = jnp.float32(1.0) - low_keep
            last_lane = lanes == L - 1
            acc_a = jnp.zeros((L,), jnp.float32)
            acc_b = jnp.zeros((L,), jnp.float32)
            for k in range(FULL):
                v = sv[pl.ds(base + k * L, L)]
                acc_a = acc_a + plsc.load_gather(tab_v, [v, lanes])
            v = sv[pl.ds(base + FULL * L, L)]
            mid = plsc.load_gather(tab_v, [v, lanes])
            acc_a = acc_a + mid * low_keep
            acc_b = acc_b + mid * high_keep
            for k in range(FULL + 1, 2 * FULL + 1):
                v = sv[pl.ds(base + k * L, L)]
                acc_b = acc_b + plsc.load_gather(tab_v, [v, lanes])
            row = c * CHUNK + 2 * g
            plsc.store_scatter(
                out_v, [jnp.full((L,), row, jnp.int32)],
                plsc.cumsum(acc_a), mask=last_lane)
            plsc.store_scatter(
                out_v, [jnp.full((L,), row + 1, jnp.int32)],
                plsc.cumsum(acc_b), mask=last_lane)
            return 0

        lax.fori_loop(0, CHUNK // 2, pair_body, 0)

    inv = jnp.float32(1.0 / COLS)
    for i in range(ROWS_PER_W // L):
        out_v[pl.ds(i * L, L)] = out_v[pl.ds(i * L, L)] * inv

    pltpu.sync_copy(out_v, out_hbm.at[pl.ds(row0, ROWS_PER_W)])


def kernel(seq_samples, reward_mask):
    seq = seq_samples.astype(jnp.int32).reshape(ROWS * COLS)
    tab = jnp.zeros((VOCAB_PAD,), jnp.float32).at[: reward_mask.shape[0]].set(
        reward_mask.astype(jnp.float32)
    )
    tab2d = jnp.broadcast_to(tab[:, None], (VOCAB_PAD, L))
    return _sc_kernel(seq, tab2d)

# --- scband reference (transcript-rebuilt; emitter-appended) ---
"""Pipeline reference for scband-target-reward-15221364097086 (READ-ONLY COPY).

The authoritative reference and input builder live on the scoring server;
editing this copy changes nothing except your own understanding.
"""

import jax, jax.numpy as jnp
import numpy as np

RESTYPES = 'ACDEFGHIKLMNPQRSTVWY'
TARGET_CHARS = ['A', 'V', 'L']


def _build_reward_mask():
    vocab_size = len(RESTYPES) + 1
    mask = np.zeros(vocab_size, dtype=np.float32)
    for char in TARGET_CHARS:
        if char in RESTYPES:
            mask[RESTYPES.index(char)] = 1.0
    return jnp.asarray(mask)


def setup_inputs(seed: int = 0) -> dict:
    key = jax.random.key(seed)
    k1, _ = jax.random.split(key)
    seq_samples = jax.random.randint(k1, (16384, 200), 0, 21, dtype=jnp.int64)
    reward_mask = _build_reward_mask()
    return {"seq_samples": seq_samples, "reward_mask": reward_mask}


def reference(seq_samples, reward_mask):
    # hits = self.reward_mask[seq_samples.long()]
    hits = jnp.take(reward_mask, seq_samples.astype(jnp.int32), axis=0)
    # return hits.mean(dim=-1)
    return hits.mean(axis=-1)

if __name__ == "__main__":
    import jax
    _d = setup_inputs()
    print(jax.jit(kernel)(*tuple(_d.values())))

</pallas_src>

<mosaic_0001>
#map = affine_map<(d0, d1) -> (0)>
#map1 = affine_map<(d0, d1) -> (0, 0)>
module attributes {stable_mosaic.version = 14 : i64} {
  func.func @_sc_kernel(%arg0: i32, %arg1: i32, %arg2: memref<3276800xi32, #tpu.memory_space<hbm>>, %arg3: memref<32x16xf32, #tpu.memory_space<hbm>>, %arg4: memref<16384xf32, #tpu.memory_space<hbm>>, %arg5: memref<25600xi32, #tpu.memory_space<vmem>>, %arg6: memref<25600xi32, #tpu.memory_space<vmem>>, %arg7: memref<32x16xf32, #tpu.memory_space<vmem>>, %arg8: memref<512xf32, #tpu.memory_space<vmem>>, %arg9: memref<!tpu.dma_semaphore, #tpu.memory_space<semaphore_mem>>, %arg10: memref<!tpu.dma_semaphore, #tpu.memory_space<semaphore_mem>>) attributes {dimension_semantics = [#tpu.dimension_semantics<core_parallel>, #tpu.dimension_semantics<subcore_parallel>], iteration_bounds = array<i64: 2, 16>, scalar_prefetch = 0 : i64, scratch_operands = 6 : i64, tpu.core_type = #tpu.core_type<sc_vector_subcore>, window_params = [{transform_indices = #map}, {transform_indices = #map1}, {transform_indices = #map}]} {
    %mul3A = arith.constant 2 : i32
    %mul3A_0 = arith.muli %arg1, %mul3A : i32
    %add3A = arith.addi %mul3A_0, %arg0 : i32
    %mul3A_1 = arith.constant 512 : i32
    %mul3A_2 = arith.muli %add3A, %mul3A_1 : i32
    "tpu.region"() ({
      %run_scoped3A = tpu.sem_alloc : memref<!tpu.dma_semaphore, #tpu.memory_space<semaphore_mem>>
      tpu.enqueue_dma source(%arg3 : memref<32x16xf32, #tpu.memory_space<hbm>>) target(%arg7 : memref<32x16xf32, #tpu.memory_space<vmem>>) target_semaphore(%run_scoped3A : memref<!tpu.dma_semaphore, #tpu.memory_space<semaphore_mem>>)
      tpu.wait_dma2 semaphore(%run_scoped3A : memref<!tpu.dma_semaphore, #tpu.memory_space<semaphore_mem>>) src(%arg3 : memref<32x16xf32, #tpu.memory_space<hbm>>) dst(%arg7 : memref<32x16xf32, #tpu.memory_space<vmem>>)
      tpu.yield
    }) : () -> ()
    %add3A_3 = arith.constant 0 : i32
    %add3A_4 = arith.addi %mul3A_2, %add3A_3 : i32
    %mul3A_5 = arith.constant 200 : i32
    %mul3A_6 = arith.muli %add3A_4, %mul3A_5 : i32
    %dma_start3A = tpu.memref_slice %arg2[%mul3A_6] : memref<3276800xi32, #tpu.memory_space<hbm>> -> memref<25600xi32, #tpu.memory_space<hbm>>
    %dma_start3A_7 = tpu.memref_slice %arg2[%mul3A_6] : memref<3276800xi32, #tpu.memory_space<hbm>> -> memref<25600xi32, #tpu.memory_space<hbm>>
    tpu.enqueue_dma source(%dma_start3A_7 : memref<25600xi32, #tpu.memory_space<hbm>>) target(%arg5 : memref<25600xi32, #tpu.memory_space<vmem>>) target_semaphore(%arg9 : memref<!tpu.dma_semaphore, #tpu.memory_space<semaphore_mem>>)
    %dma_wait3A = tpu.memref_slice %arg2[%mul3A_6] : memref<3276800xi32, #tpu.memory_space<hbm>> -> memref<25600xi32, #tpu.memory_space<hbm>>
    %dma_wait3A_8 = tpu.memref_slice %arg2[%mul3A_6] : memref<3276800xi32, #tpu.memory_space<hbm>> -> memref<25600xi32, #tpu.memory_space<hbm>>
    tpu.wait_dma2 semaphore(%arg9 : memref<!tpu.dma_semaphore, #tpu.memory_space<semaphore_mem>>) src(%dma_wait3A_8 : memref<25600xi32, #tpu.memory_space<hbm>>) dst(%arg5 : memref<25600xi32, #tpu.memory_space<vmem>>)
    %add3A_9 = arith.constant 128 : i32
    %add3A_10 = arith.addi %mul3A_2, %add3A_9 : i32
    %mul3A_11 = arith.constant 200 : i32
    %mul3A_12 = arith.muli %add3A_10, %mul3A_11 : i32
    %dma_start3A_13 = tpu.memref_slice %arg2[%mul3A_12] : memref<3276800xi32, #tpu.memory_space<hbm>> -> memref<25600xi32, #tpu.memory_space<hbm>>
    %dma_start3A_14 = tpu.memref_slice %arg2[%mul3A_12] : memref<3276800xi32, #tpu.memory_space<hbm>> -> memref<25600xi32, #tpu.memory_space<hbm>>
    tpu.enqueue_dma source(%dma_start3A_14 : memref<25600xi32, #tpu.memory_space<hbm>>) target(%arg6 : memref<25600xi32, #tpu.memory_space<vmem>>) target_semaphore(%arg10 : memref<!tpu.dma_semaphore, #tpu.memory_space<semaphore_mem>>)
    %scan3A = arith.constant 0 : i32
    %scan3A_15 = arith.constant 0 : i32
    %scan3A_16 = arith.constant 64 : i32
    %scan3A_17 = arith.addi %scan3A_15, %scan3A_16 : i32
    %scan3A_18 = arith.constant 1 : i32
    %scan3A_19 = scf.for %scan3A_282 = %scan3A_15 to %scan3A_17 step %scan3A_18 iter_args(%scan3A_283 = %scan3A) -> (i32)  : i32 {
      %mul3A_284 = arith.constant 400 : i32
      %mul3A_285 = arith.muli %scan3A_282, %mul3A_284 : i32
      %iota3A = tpu.iota {dimensions = array<i32: 0>} : vector<16xi32>
      %lt3A = arith.constant 8 : i32
      %lt3A_286 = vector.broadcast %lt3A : i32 to vector<16xi32>
      %lt3A_287 = arith.cmpi slt, %iota3A, %lt3A_286 : vector<16xi32>
      %convert_element_type3A = arith.extui %lt3A_287 : vector<16xi1> to vector<16xi32>
      %convert_element_type3A_288 = arith.sitofp %convert_element_type3A : vector<16xi32> to vector<16xf32>
      %sub3A = arith.constant 1.000000e+00 : f32
      %sub3A_289 = vector.broadcast %sub3A : f32 to vector<16xf32>
      %sub3A_290 = arith.subf %sub3A_289, %convert_element_type3A_288 : vector<16xf32>
      %eq3A = arith.constant 15 : i32
      %eq3A_291 = vector.broadcast %eq3A : i32 to vector<16xi32>
      %eq3A_292 = arith.cmpi eq, %iota3A, %eq3A_291 : vector<16xi32>
      %broadcast_in_dim3A = arith.constant 0.000000e+00 : f32
      %broadcast_in_dim3A_293 = vector.broadcast %broadcast_in_dim3A : f32 to vector<16xf32>
      %broadcast_in_dim3A_294 = arith.constant 0.000000e+00 : f32
      %broadcast_in_dim3A_295 = vector.broadcast %broadcast_in_dim3A_294 : f32 to vector<16xf32>
      %add3A_296 = arith.constant 0 : i32
      %add3A_297 = arith.addi %mul3A_285, %add3A_296 : i32
      %get3A_298 = arith.index_cast %add3A_297 : i32 to index
      %get3A_299 = tpu.vector_load %arg5[%get3A_298] {strides = array<i32>} : memref<25600xi32, #tpu.memory_space<vmem>>, vector<16xi32>,
      %gather3A = tpu.vector_load_idx %arg7[%get3A_299, %iota3A] : memref<32x16xf32, #tpu.memory_space<vmem>>[vector<16xi32>, vector<16xi32>], vector<16xf32>,
      %add3A_300 = arith.addf %broadcast_in_dim3A_293, %gather3A : vector<16xf32>
      %add3A_301 = arith.constant 16 : i32
      %add3A_302 = arith.addi %mul3A_285, %add3A_301 : i32
      %get3A_303 = arith.index_cast %add3A_302 : i32 to index
      %get3A_304 = tpu.vector_load %arg5[%get3A_303] {strides = array<i32>} : memref<25600xi32, #tpu.memory_space<vmem>>, vector<16xi32>,
      %gather3A_305 = tpu.vector_load_idx %arg7[%get3A_304, %iota3A] : memref<32x16xf32, #tpu.memory_space<vmem>>[vector<16xi32>, vector<16xi32>], vector<16xf32>,
      %add3A_306 = arith.addf %add3A_300, %gather3A_305 : vector<16xf32>
      %add3A_307 = arith.constant 32 : i32
      %add3A_308 = arith.addi %mul3A_285, %add3A_307 : i32
      %get3A_309 = arith.index_cast %add3A_308 : i32 to index
      %get3A_310 = tpu.vector_load %arg5[%get3A_309] {strides = array<i32>} : memref<25600xi32, #tpu.memory_space<vmem>>, vector<16xi32>,
      %gather3A_311 = tpu.vector_load_idx %arg7[%get3A_310, %iota3A] : memref<32x16xf32, #tpu.memory_space<vmem>>[vector<16xi32>, vector<16xi32>], vector<16xf32>,
      %add3A_312 = arith.addf %add3A_306, %gather3A_311 : vector<16xf32>
      %add3A_313 = arith.constant 48 : i32
      %add3A_314 = arith.addi %mul3A_285, %add3A_313 : i32
      %get3A_315 = arith.index_cast %add3A_314 : i32 to index
      %get3A_316 = tpu.vector_load %arg5[%get3A_315] {strides = array<i32>} : memref<25600xi32, #tpu.memory_space<vmem>>, vector<16xi32>,
      %gather3A_317 = tpu.vector_load_idx %arg7[%get3A_316, %iota3A] : memref<32x16xf32, #tpu.memory_space<vmem>>[vector<16xi32>, vector<16xi32>], vector<16xf32>,
      %add3A_318 = arith.addf %add3A_312, %gather3A_317 : vector<16xf32>
      %add3A_319 = arith.constant 64 : i32
      %add3A_320 = arith.addi %mul3A_285, %add3A_319 : i32
      %get3A_321 = arith.index_cast %add3A_320 : i32 to index
      %get3A_322 = tpu.vector_load %arg5[%get3A_321] {strides = array<i32>} : memref<25600xi32, #tpu.memory_space<vmem>>, vector<16xi32>,
      %gather3A_323 = tpu.vector_load_idx %arg7[%get3A_322, %iota3A] : memref<32x16xf32, #tpu.memory_space<vmem>>[vector<16xi32>, vector<16xi32>], vector<16xf32>,
      %add3A_324 = arith.addf %add3A_318, %gather3A_323 : vector<16xf32>
      %add3A_325 = arith.constant 80 : i32
      %add3A_326 = arith.addi %mul3A_285, %add3A_325 : i32
      %get3A_327 = arith.index_cast %add3A_326 : i32 to index
      %get3A_328 = tpu.vector_load %arg5[%get3A_327] {strides = array<i32>} : memref<25600xi32, #tpu.memory_space<vmem>>, vector<16xi32>,
      %gather3A_329 = tpu.vector_load_idx %arg7[%get3A_328, %iota3A] : memref<32x16xf32, #tpu.memory_space<vmem>>[vector<16xi32>, vector<16xi32>], vector<16xf32>,
      %add3A_330 = arith.addf %add3A_324, %gather3A_329 : vector<16xf32>
      %add3A_331 = arith.constant 96 : i32
      %add3A_332 = arith.addi %mul3A_285, %add3A_331 : i32
      %get3A_333 = arith.index_cast %add3A_332 : i32 to index
      %get3A_334 = tpu.vector_load %arg5[%get3A_333] {strides = array<i32>} : memref<25600xi32, #tpu.memory_space<vmem>>, vector<16xi32>,
      %gather3A_335 = tpu.vector_load_idx %arg7[%get3A_334, %iota3A] : memref<32x16xf32, #tpu.memory_space<vmem>>[vector<16xi32>, vector<16xi32>], vector<16xf32>,
      %add3A_336 = arith.addf %add3A_330, %gather3A_335 : vector<16xf32>
      %add3A_337 = arith.constant 112 : i32
      %add3A_338 = arith.addi %mul3A_285, %add3A_337 : i32
      %get3A_339 = arith.index_cast %add3A_338 : i32 to index
      %get3A_340 = tpu.vector_load %arg5[%get3A_339] {strides = array<i32>} : memref<25600xi32, #tpu.memory_space<vmem>>, vector<16xi32>,
      %gather3A_341 = tpu.vector_load_idx %arg7[%get3A_340, %iota3A] : memref<32x16xf32, #tpu.memory_space<vmem>>[vector<16xi32>, vector<16xi32>], vector<16xf32>,
      %add3A_342 = arith.addf %add3A_336, %gather3A_341 : vector<16xf32>
      %add3A_343 = arith.constant 128 : i32
      %add3A_344 = arith.addi %mul3A_285, %add3A_343 : i32
      %get3A_345 = arith.index_cast %add3A_344 : i32 to index
      %get3A_346 = tpu.vector_load %arg5[%get3A_345] {strides = array<i32>} : memref<25600xi32, #tpu.memory_space<vmem>>, vector<16xi32>,
      %gather3A_347 = tpu.vector_load_idx %arg7[%get3A_346, %iota3A] : memref<32x16xf32, #tpu.memory_space<vmem>>[vector<16xi32>, vector<16xi32>], vector<16xf32>,
      %add3A_348 = arith.addf %add3A_342, %gather3A_347 : vector<16xf32>
      %add3A_349 = arith.constant 144 : i32
      %add3A_350 = arith.addi %mul3A_285, %add3A_349 : i32
      %get3A_351 = arith.index_cast %add3A_350 : i32 to index
      %get3A_352 = tpu.vector_load %arg5[%get3A_351] {strides = array<i32>} : memref<25600xi32, #tpu.memory_space<vmem>>, vector<16xi32>,
      %gather3A_353 = tpu.vector_load_idx %arg7[%get3A_352, %iota3A] : memref<32x16xf32, #tpu.memory_space<vmem>>[vector<16xi32>, vector<16xi32>], vector<16xf32>,
      %add3A_354 = arith.addf %add3A_348, %gather3A_353 : vector<16xf32>
      %add3A_355 = arith.constant 160 : i32
      %add3A_356 = arith.addi %mul3A_285, %add3A_355 : i32
      %get3A_357 = arith.index_cast %add3A_356 : i32 to index
      %get3A_358 = tpu.vector_load %arg5[%get3A_357] {strides = array<i32>} : memref<25600xi32, #tpu.memory_space<vmem>>, vector<16xi32>,
      %gather3A_359 = tpu.vector_load_idx %arg7[%get3A_358, %iota3A] : memref<32x16xf32, #tpu.memory_space<vmem>>[vector<16xi32>, vector<16xi32>], vector<16xf32>,
      %add3A_360 = arith.addf %add3A_354, %gather3A_359 : vector<16xf32>
      %add3A_361 = arith.constant 176 : i32
      %add3A_362 = arith.addi %mul3A_285, %add3A_361 : i32
      %get3A_363 = arith.index_cast %add3A_362 : i32 to index
      %get3A_364 = tpu.vector_load %arg5[%get3A_363] {strides = array<i32>} : memref<25600xi32, #tpu.memory_space<vmem>>, vector<16xi32>,
      %gather3A_365 = tpu.vector_load_idx %arg7[%get3A_364, %iota3A] : memref<32x16xf32, #tpu.memory_space<vmem>>[vector<16xi32>, vector<16xi32>], vector<16xf32>,
      %add3A_366 = arith.addf %add3A_360, %gather3A_365 : vector<16xf32>
      %add3A_367 = arith.constant 192 : i32
      %add3A_368 = arith.addi %mul3A_285, %add3A_367 : i32
      %get3A_369 = arith.index_cast %add3A_368 : i32 to index
      %get3A_370 = tpu.vector_load %arg5[%get3A_369] {strides = array<i32>} : memref<25600xi32, #tpu.memory_space<vmem>>, vector<16xi32>,
      %gather3A_371 = tpu.vector_load_idx %arg7[%get3A_370, %iota3A] : memref<32x16xf32, #tpu.memory_space<vmem>>[vector<16xi32>, vector<16xi32>], vector<16xf32>,
      %mul3A_372 = arith.mulf %gather3A_371, %convert_element_type3A_288 : vector<16xf32>
      %add3A_373 = arith.addf %add3A_366, %mul3A_372 : vector<16xf32>
      %mul3A_374 = arith.mulf %gather3A_371, %sub3A_290 : vector<16xf32>
      %add3A_375 = arith.addf %broadcast_in_dim3A_295, %mul3A_374 : vector<16xf32>
      %add3A_376 = arith.constant 208 : i32
      %add3A_377 = arith.addi %mul3A_285, %add3A_376 : i32
      %get3A_378 = arith.index_cast %add3A_377 : i32 to index
      %get3A_379 = tpu.vector_load %arg5[%get3A_378] {strides = array<i32>} : memref<25600xi32, #tpu.memory_space<vmem>>, vector<16xi32>,
      %gather3A_380 = tpu.vector_load_idx %arg7[%get3A_379, %iota3A] : memref<32x16xf32, #tpu.memory_space<vmem>>[vector<16xi32>, vector<16xi32>], vector<16xf32>,
      %add3A_381 = arith.addf %add3A_375, %gather3A_380 : vector<16xf32>
      %add3A_382 = arith.constant 224 : i32
      %add3A_383 = arith.addi %mul3A_285, %add3A_382 : i32
      %get3A_384 = arith.index_cast %add3A_383 : i32 to index
      %get3A_385 = tpu.vector_load %arg5[%get3A_384] {strides = array<i32>} : memref<25600xi32, #tpu.memory_space<vmem>>, vector<16xi32>,
      %gather3A_386 = tpu.vector_load_idx %arg7[%get3A_385, %iota3A] : memref<32x16xf32, #tpu.memory_space<vmem>>[vector<16xi32>, vector<16xi32>], vector<16xf32>,
      %add3A_387 = arith.addf %add3A_381, %gather3A_386 : vector<16xf32>
      %add3A_388 = arith.constant 240 : i32
      %add3A_389 = arith.addi %mul3A_285, %add3A_388 : i32
      %get3A_390 = arith.index_cast %add3A_389 : i32 to index
      %get3A_391 = tpu.vector_load %arg5[%get3A_390] {strides = array<i32>} : memref<25600xi32, #tpu.memory_space<vmem>>, vector<16xi32>,
      %gather3A_392 = tpu.vector_load_idx %arg7[%get3A_391, %iota3A] : memref<32x16xf32, #tpu.memory_space<vmem>>[vector<16xi32>, vector<16xi32>], vector<16xf32>,
      %add3A_393 = arith.addf %add3A_387, %gather3A_392 : vector<16xf32>
      %add3A_394 = arith.constant 256 : i32
      %add3A_395 = arith.addi %mul3A_285, %add3A_394 : i32
      %get3A_396 = arith.index_cast %add3A_395 : i32 to index
      %get3A_397 = tpu.vector_load %arg5[%get3A_396] {strides = array<i32>} : memref<25600xi32, #tpu.memory_space<vmem>>, vector<16xi32>,
      %gather3A_398 = tpu.vector_load_idx %arg7[%get3A_397, %iota3A] : memref<32x16xf32, #tpu.memory_space<vmem>>[vector<16xi32>, vector<16xi32>], vector<16xf32>,
      %add3A_399 = arith.addf %add3A_393, %gather3A_398 : vector<16xf32>
      %add3A_400 = arith.constant 272 : i32
      %add3A_401 = arith.addi %mul3A_285, %add3A_400 : i32
      %get3A_402 = arith.index_cast %add3A_401 : i32 to index
      %get3A_403 = tpu.vector_load %arg5[%get3A_402] {strides = array<i32>} : memref<25600xi32, #tpu.memory_space<vmem>>, vector<16xi32>,
      %gather3A_404 = tpu.vector_load_idx %arg7[%get3A_403, %iota3A] : memref<32x16xf32, #tpu.memory_space<vmem>>[vector<16xi32>, vector<16xi32>], vector<16xf32>,
      %add3A_405 = arith.addf %add3A_399, %gather3A_404 : vector<16xf32>
      %add3A_406 = arith.constant 288 : i32
      %add3A_407 = arith.addi %mul3A_285, %add3A_406 : i32
      %get3A_408 = arith.index_cast %add3A_407 : i32 to index
      %get3A_409 = tpu.vector_load %arg5[%get3A_408] {strides = array<i32>} : memref<25600xi32, #tpu.memory_space<vmem>>, vector<16xi32>,
      %gather3A_410 = tpu.vector_load_idx %arg7[%get3A_409, %iota3A] : memref<32x16xf32, #tpu.memory_space<vmem>>[vector<16xi32>, vector<16xi32>], vector<16xf32>,
      %add3A_411 = arith.addf %add3A_405, %gather3A_410 : vector<16xf32>
      %add3A_412 = arith.constant 304 : i32
      %add3A_413 = arith.addi %mul3A_285, %add3A_412 : i32
      %get3A_414 = arith.index_cast %add3A_413 : i32 to index
      %get3A_415 = tpu.vector_load %arg5[%get3A_414] {strides = array<i32>} : memref<25600xi32, #tpu.memory_space<vmem>>, vector<16xi32>,
      %gather3A_416 = tpu.vector_load_idx %arg7[%get3A_415, %iota3A] : memref<32x16xf32, #tpu.memory_space<vmem>>[vector<16xi32>, vector<16xi32>], vector<16xf32>,
      %add3A_417 = arith.addf %add3A_411, %gather3A_416 : vector<16xf32>
      %add3A_418 = arith.constant 320 : i32
      %add3A_419 = arith.addi %mul3A_285, %add3A_418 : i32
      %get3A_420 = arith.index_cast %add3A_419 : i32 to index
      %get3A_421 = tpu.vector_load %arg5[%get3A_420] {strides = array<i32>} : memref<25600xi32, #tpu.memory_space<vmem>>, vector<16xi32>,
      %gather3A_422 = tpu.vector_load_idx %arg7[%get3A_421, %iota3A] : memref<32x16xf32, #tpu.memory_space<vmem>>[vector<16xi32>, vector<16xi32>], vector<16xf32>,
      %add3A_423 = arith.addf %add3A_417, %gather3A_422 : vector<16xf32>
      %add3A_424 = arith.constant 336 : i32
      %add3A_425 = arith.addi %mul3A_285, %add3A_424 : i32
      %get3A_426 = arith.index_cast %add3A_425 : i32 to index
      %get3A_427 = tpu.vector_load %arg5[%get3A_426] {strides = array<i32>} : memref<25600xi32, #tpu.memory_space<vmem>>, vector<16xi32>,
      %gather3A_428 = tpu.vector_load_idx %arg7[%get3A_427, %iota3A] : memref<32x16xf32, #tpu.memory_space<vmem>>[vector<16xi32>, vector<16xi32>], vector<16xf32>,
      %add3A_429 = arith.addf %add3A_423, %gather3A_428 : vector<16xf32>
      %add3A_430 = arith.constant 352 : i32
      %add3A_431 = arith.addi %mul3A_285, %add3A_430 : i32
      %get3A_432 = arith.index_cast %add3A_431 : i32 to index
      %get3A_433 = tpu.vector_load %arg5[%get3A_432] {strides = array<i32>} : memref<25600xi32, #tpu.memory_space<vmem>>, vector<16xi32>,
      %gather3A_434 = tpu.vector_load_idx %arg7[%get3A_433, %iota3A] : memref<32x16xf32, #tpu.memory_space<vmem>>[vector<16xi32>, vector<16xi32>], vector<16xf32>,
      %add3A_435 = arith.addf %add3A_429, %gather3A_434 : vector<16xf32>
      %add3A_436 = arith.constant 368 : i32
      %add3A_437 = arith.addi %mul3A_285, %add3A_436 : i32
      %get3A_438 = arith.index_cast %add3A_437 : i32 to index
      %get3A_439 = tpu.vector_load %arg5[%get3A_438] {strides = array<i32>} : memref<25600xi32, #tpu.memory_space<vmem>>, vector<16xi32>,
      %gather3A_440 = tpu.vector_load_idx %arg7[%get3A_439, %iota3A] : memref<32x16xf32, #tpu.memory_space<vmem>>[vector<16xi32>, vector<16xi32>], vector<16xf32>,
      %add3A_441 = arith.addf %add3A_435, %gather3A_440 : vector<16xf32>
      %add3A_442 = arith.constant 384 : i32
      %add3A_443 = arith.addi %mul3A_285, %add3A_442 : i32
      %get3A_444 = arith.index_cast %add3A_443 : i32 to index
      %get3A_445 = tpu.vector_load %arg5[%get3A_444] {strides = array<i32>} : memref<25600xi32, #tpu.memory_space<vmem>>, vector<16xi32>,
      %gather3A_446 = tpu.vector_load_idx %arg7[%get3A_445, %iota3A] : memref<32x16xf32, #tpu.memory_space<vmem>>[vector<16xi32>, vector<16xi32>], vector<16xf32>,
      %add3A_447 = arith.addf %add3A_441, %gather3A_446 : vector<16xf32>
      %mul3A_448 = arith.constant 2 : i32
      %mul3A_449 = arith.muli %mul3A_448, %scan3A_282 : i32
      %add3A_450 = arith.constant 0 : i32
      %add3A_451 = arith.addi %add3A_450, %mul3A_449 : i32
      %broadcast_in_dim3A_452 = vector.broadcast %add3A_451 : i32 to vector<16xi32>
      %broadcast_in_dim3A_453 = arith.constant true
      %broadcast_in_dim3A_454 = vector.broadcast %broadcast_in_dim3A_453 : i1 to vector<16xi1>
      %masked_cumsum3A = tpu.scan <sum>, %add3A_373 masked %broadcast_in_dim3A_454 : vector<16xf32>, vector<16xi1> -> vector<16xf32>
      tpu.vector_store_idx %arg8[%broadcast_in_dim3A_452], %masked_cumsum3A masked %eq3A_292 : memref<512xf32, #tpu.memory_space<vmem>>[vector<16xi32>], vector<16xf32>, vector<16xi1>
      %add3A_455 = arith.constant 1 : i32
      %add3A_456 = arith.addi %add3A_451, %add3A_455 : i32
      %broadcast_in_dim3A_457 = vector.broadcast %add3A_456 : i32 to vector<16xi32>
      %broadcast_in_dim3A_458 = arith.constant true
      %broadcast_in_dim3A_459 = vector.broadcast %broadcast_in_dim3A_458 : i1 to vector<16xi1>
      %masked_cumsum3A_460 = tpu.scan <sum>, %add3A_447 masked %broadcast_in_dim3A_459 : vector<16xf32>, vector<16xi1> -> vector<16xf32>
      tpu.vector_store_idx %arg8[%broadcast_in_dim3A_457], %masked_cumsum3A_460 masked %eq3A_292 : memref<512xf32, #tpu.memory_space<vmem>>[vector<16xi32>], vector<16xf32>, vector<16xi1>
      %scan3A_461 = arith.constant 0 : i32
      scf.yield %scan3A_461 : i32
    }
    %scan3A_20 = arith.constant 64 : i32
    %dma_wait3A_21 = tpu.memref_slice %arg2[%mul3A_12] : memref<3276800xi32, #tpu.memory_space<hbm>> -> memref<25600xi32, #tpu.memory_space<hbm>>
    %dma_wait3A_22 = tpu.memref_slice %arg2[%mul3A_12] : memref<3276800xi32, #tpu.memory_space<hbm>> -> memref<25600xi32, #tpu.memory_space<hbm>>
    tpu.wait_dma2 semaphore(%arg10 : memref<!tpu.dma_semaphore, #tpu.memory_space<semaphore_mem>>) src(%dma_wait3A_22 : memref<25600xi32, #tpu.memory_space<hbm>>) dst(%arg6 : memref<25600xi32, #tpu.memory_space<vmem>>)
    %add3A_23 = arith.constant 256 : i32
    %add3A_24 = arith.addi %mul3A_2, %add3A_23 : i32
    %mul3A_25 = arith.constant 200 : i32
    %mul3A_26 = arith.muli %add3A_24, %mul3A_25 : i32
    %dma_start3A_27 = tpu.memref_slice %arg2[%mul3A_26] : memref<3276800xi32, #tpu.memory_space<hbm>> -> memref<25600xi32, #tpu.memory_space<hbm>>
    %dma_start3A_28 = tpu.memref_slice %arg2[%mul3A_26] : memref<3276800xi32, #tpu.memory_space<hbm>> -> memref<25600xi32, #tpu.memory_space<hbm>>
    tpu.enqueue_dma source(%dma_start3A_28 : memref<25600xi32, #tpu.memory_space<hbm>>) target(%arg5 : memref<25600xi32, #tpu.memory_space<vmem>>) target_semaphore(%arg9 : memref<!tpu.dma_semaphore, #tpu.memory_space<semaphore_mem>>)
    %scan3A_29 = arith.constant 0 : i32
    %scan3A_30 = arith.constant 0 : i32
    %scan3A_31 = arith.constant 64 : i32
    %scan3A_32 = arith.addi %scan3A_30, %scan3A_31 : i32
    %scan3A_33 = arith.constant 1 : i32
    %scan3A_34 = scf.for %scan3A_282 = %scan3A_30 to %scan3A_32 step %scan3A_33 iter_args(%scan3A_283 = %scan3A_29) -> (i32)  : i32 {
      %mul3A_284 = arith.constant 400 : i32
      %mul3A_285 = arith.muli %scan3A_282, %mul3A_284 : i32
      %iota3A = tpu.iota {dimensions = array<i32: 0>} : vector<16xi32>
      %lt3A = arith.constant 8 : i32
      %lt3A_286 = vector.broadcast %lt3A : i32 to vector<16xi32>
      %lt3A_287 = arith.cmpi slt, %iota3A, %lt3A_286 : vector<16xi32>
      %convert_element_type3A = arith.extui %lt3A_287 : vector<16xi1> to vector<16xi32>
      %convert_element_type3A_288 = arith.sitofp %convert_element_type3A : vector<16xi32> to vector<16xf32>
      %sub3A = arith.constant 1.000000e+00 : f32
      %sub3A_289 = vector.broadcast %sub3A : f32 to vector<16xf32>
      %sub3A_290 = arith.subf %sub3A_289, %convert_element_type3A_288 : vector<16xf32>
      %eq3A = arith.constant 15 : i32
      %eq3A_291 = vector.broadcast %eq3A : i32 to vector<16xi32>
      %eq3A_292 = arith.cmpi eq, %iota3A, %eq3A_291 : vector<16xi32>
      %broadcast_in_dim3A = arith.constant 0.000000e+00 : f32
      %broadcast_in_dim3A_293 = vector.broadcast %broadcast_in_dim3A : f32 to vector<16xf32>
      %broadcast_in_dim3A_294 = arith.constant 0.000000e+00 : f32
      %broadcast_in_dim3A_295 = vector.broadcast %broadcast_in_dim3A_294 : f32 to vector<16xf32>
      %add3A_296 = arith.constant 0 : i32
      %add3A_297 = arith.addi %mul3A_285, %add3A_296 : i32
      %get3A_298 = arith.index_cast %add3A_297 : i32 to index
      %get3A_299 = tpu.vector_load %arg6[%get3A_298] {strides = array<i32>} : memref<25600xi32, #tpu.memory_space<vmem>>, vector<16xi32>,
      %gather3A = tpu.vector_load_idx %arg7[%get3A_299, %iota3A] : memref<32x16xf32, #tpu.memory_space<vmem>>[vector<16xi32>, vector<16xi32>], vector<16xf32>,
      %add3A_300 = arith.addf %broadcast_in_dim3A_293, %gather3A : vector<16xf32>
      %add3A_301 = arith.constant 16 : i32
      %add3A_302 = arith.addi %mul3A_285, %add3A_301 : i32
      %get3A_303 = arith.index_cast %add3A_302 : i32 to index
      %get3A_304 = tpu.vector_load %arg6[%get3A_303] {strides = array<i32>} : memref<25600xi32, #tpu.memory_space<vmem>>, vector<16xi32>,
      %gather3A_305 = tpu.vector_load_idx %arg7[%get3A_304, %iota3A] : memref<32x16xf32, #tpu.memory_space<vmem>>[vector<16xi32>, vector<16xi32>], vector<16xf32>,
      %add3A_306 = arith.addf %add3A_300, %gather3A_305 : vector<16xf32>
      %add3A_307 = arith.constant 32 : i32
      %add3A_308 = arith.addi %mul3A_285, %add3A_307 : i32
      %get3A_309 = arith.index_cast %add3A_308 : i32 to index
      %get3A_310 = tpu.vector_load %arg6[%get3A_309] {strides = array<i32>} : memref<25600xi32, #tpu.memory_space<vmem>>, vector<16xi32>,
      %gather3A_311 = tpu.vector_load_idx %arg7[%get3A_310, %iota3A] : memref<32x16xf32, #tpu.memory_space<vmem>>[vector<16xi32>, vector<16xi32>], vector<16xf32>,
      %add3A_312 = arith.addf %add3A_306, %gather3A_311 : vector<16xf32>
      %add3A_313 = arith.constant 48 : i32
      %add3A_314 = arith.addi %mul3A_285, %add3A_313 : i32
      %get3A_315 = arith.index_cast %add3A_314 : i32 to index
      %get3A_316 = tpu.vector_load %arg6[%get3A_315] {strides = array<i32>} : memref<25600xi32, #tpu.memory_space<vmem>>, vector<16xi32>,
      %gather3A_317 = tpu.vector_load_idx %arg7[%get3A_316, %iota3A] : memref<32x16xf32, #tpu.memory_space<vmem>>[vector<16xi32>, vector<16xi32>], vector<16xf32>,
      %add3A_318 = arith.addf %add3A_312, %gather3A_317 : vector<16xf32>
      %add3A_319 = arith.constant 64 : i32
      %add3A_320 = arith.addi %mul3A_285, %add3A_319 : i32
      %get3A_321 = arith.index_cast %add3A_320 : i32 to index
      %get3A_322 = tpu.vector_load %arg6[%get3A_321] {strides = array<i32>} : memref<25600xi32, #tpu.memory_space<vmem>>, vector<16xi32>,
      %gather3A_323 = tpu.vector_load_idx %arg7[%get3A_322, %iota3A] : memref<32x16xf32, #tpu.memory_space<vmem>>[vector<16xi32>, vector<16xi32>], vector<16xf32>,
      %add3A_324 = arith.addf %add3A_318, %gather3A_323 : vector<16xf32>
      %add3A_325 = arith.constant 80 : i32
      %add3A_326 = arith.addi %mul3A_285, %add3A_325 : i32
      %get3A_327 = arith.index_cast %add3A_326 : i32 to index
      %get3A_328 = tpu.vector_load %arg6[%get3A_327] {strides = array<i32>} : memref<25600xi32, #tpu.memory_space<vmem>>, vector<16xi32>,
      %gather3A_329 = tpu.vector_load_idx %arg7[%get3A_328, %iota3A] : memref<32x16xf32, #tpu.memory_space<vmem>>[vector<16xi32>, vector<16xi32>], vector<16xf32>,
      %add3A_330 = arith.addf %add3A_324, %gather3A_329 : vector<16xf32>
      %add3A_331 = arith.constant 96 : i32
      %add3A_332 = arith.addi %mul3A_285, %add3A_331 : i32
      %get3A_333 = arith.index_cast %add3A_332 : i32 to index
      %get3A_334 = tpu.vector_load %arg6[%get3A_333] {strides = array<i32>} : memref<25600xi32, #tpu.memory_space<vmem>>, vector<16xi32>,
      %gather3A_335 = tpu.vector_load_idx %arg7[%get3A_334, %iota3A] : memref<32x16xf32, #tpu.memory_space<vmem>>[vector<16xi32>, vector<16xi32>], vector<16xf32>,
      %add3A_336 = arith.addf %add3A_330, %gather3A_335 : vector<16xf32>
      %add3A_337 = arith.constant 112 : i32
      %add3A_338 = arith.addi %mul3A_285, %add3A_337 : i32
      %get3A_339 = arith.index_cast %add3A_338 : i32 to index
      %get3A_340 = tpu.vector_load %arg6[%get3A_339] {strides = array<i32>} : memref<25600xi32, #tpu.memory_space<vmem>>, vector<16xi32>,
      %gather3A_341 = tpu.vector_load_idx %arg7[%get3A_340, %iota3A] : memref<32x16xf32, #tpu.memory_space<vmem>>[vector<16xi32>, vector<16xi32>], vector<16xf32>,
      %add3A_342 = arith.addf %add3A_336, %gather3A_341 : vector<16xf32>
      %add3A_343 = arith.constant 128 : i32
      %add3A_344 = arith.addi %mul3A_285, %add3A_343 : i32
      %get3A_345 = arith.index_cast %add3A_344 : i32 to index
      %get3A_346 = tpu.vector_load %arg6[%get3A_345] {strides = array<i32>} : memref<25600xi32, #tpu.memory_space<vmem>>, vector<16xi32>,
      %gather3A_347 = tpu.vector_load_idx %arg7[%get3A_346, %iota3A] : memref<32x16xf32, #tpu.memory_space<vmem>>[vector<16xi32>, vector<16xi32>], vector<16xf32>,
      %add3A_348 = arith.addf %add3A_342, %gather3A_347 : vector<16xf32>
      %add3A_349 = arith.constant 144 : i32
      %add3A_350 = arith.addi %mul3A_285, %add3A_349 : i32
      %get3A_351 = arith.index_cast %add3A_350 : i32 to index
      %get3A_352 = tpu.vector_load %arg6[%get3A_351] {strides = array<i32>} : memref<25600xi32, #tpu.memory_space<vmem>>, vector<16xi32>,
      %gather3A_353 = tpu.vector_load_idx %arg7[%get3A_352, %iota3A] : memref<32x16xf32, #tpu.memory_space<vmem>>[vector<16xi32>, vector<16xi32>], vector<16xf32>,
      %add3A_354 = arith.addf %add3A_348, %gather3A_353 : vector<16xf32>
      %add3A_355 = arith.constant 160 : i32
      %add3A_356 = arith.addi %mul3A_285, %add3A_355 : i32
      %get3A_357 = arith.index_cast %add3A_356 : i32 to index
      %get3A_358 = tpu.vector_load %arg6[%get3A_357] {strides = array<i32>} : memref<25600xi32, #tpu.memory_space<vmem>>, vector<16xi32>,
      %gather3A_359 = tpu.vector_load_idx %arg7[%get3A_358, %iota3A] : memref<32x16xf32, #tpu.memory_space<vmem>>[vector<16xi32>, vector<16xi32>], vector<16xf32>,
      %add3A_360 = arith.addf %add3A_354, %gather3A_359 : vector<16xf32>
      %add3A_361 = arith.constant 176 : i32
      %add3A_362 = arith.addi %mul3A_285, %add3A_361 : i32
      %get3A_363 = arith.index_cast %add3A_362 : i32 to index
      %get3A_364 = tpu.vector_load %arg6[%get3A_363] {strides = array<i32>} : memref<25600xi32, #tpu.memory_space<vmem>>, vector<16xi32>,
      %gather3A_365 = tpu.vector_load_idx %arg7[%get3A_364, %iota3A] : memref<32x16xf32, #tpu.memory_space<vmem>>[vector<16xi32>, vector<16xi32>], vector<16xf32>,
      %add3A_366 = arith.addf %add3A_360, %gather3A_365 : vector<16xf32>
      %add3A_367 = arith.constant 192 : i32
      %add3A_368 = arith.addi %mul3A_285, %add3A_367 : i32
      %get3A_369 = arith.index_cast %add3A_368 : i32 to index
      %get3A_370 = tpu.vector_load %arg6[%get3A_369] {strides = array<i32>} : memref<25600xi32, #tpu.memory_space<vmem>>, vector<16xi32>,
      %gather3A_371 = tpu.vector_load_idx %arg7[%get3A_370, %iota3A] : memref<32x16xf32, #tpu.memory_space<vmem>>[vector<16xi32>, vector<16xi32>], vector<16xf32>,
      %mul3A_372 = arith.mulf %gather3A_371, %convert_element_type3A_288 : vector<16xf32>
      %add3A_373 = arith.addf %add3A_366, %mul3A_372 : vector<16xf32>
      %mul3A_374 = arith.mulf %gather3A_371, %sub3A_290 : vector<16xf32>
      %add3A_375 = arith.addf %broadcast_in_dim3A_295, %mul3A_374 : vector<16xf32>
      %add3A_376 = arith.constant 208 : i32
      %add3A_377 = arith.addi %mul3A_285, %add3A_376 : i32
      %get3A_378 = arith.index_cast %add3A_377 : i32 to index
      %get3A_379 = tpu.vector_load %arg6[%get3A_378] {strides = array<i32>} : memref<25600xi32, #tpu.memory_space<vmem>>, vector<16xi32>,
      %gather3A_380 = tpu.vector_load_idx %arg7[%get3A_379, %iota3A] : memref<32x16xf32, #tpu.memory_space<vmem>>[vector<16xi32>, vector<16xi32>], vector<16xf32>,
      %add3A_381 = arith.addf %add3A_375, %gather3A_380 : vector<16xf32>
      %add3A_382 = arith.constant 224 : i32
      %add3A_383 = arith.addi %mul3A_285, %add3A_382 : i32
      %get3A_384 = arith.index_cast %add3A_383 : i32 to index
      %get3A_385 = tpu.vector_load %arg6[%get3A_384] {strides = array<i32>} : memref<25600xi32, #tpu.memory_space<vmem>>, vector<16xi32>,
      %gather3A_386 = tpu.vector_load_idx %arg7[%get3A_385, %iota3A] : memref<32x16xf32, #tpu.memory_space<vmem>>[vector<16xi32>, vector<16xi32>], vector<16xf32>,
      %add3A_387 = arith.addf %add3A_381, %gather3A_386 : vector<16xf32>
      %add3A_388 = arith.constant 240 : i32
      %add3A_389 = arith.addi %mul3A_285, %add3A_388 : i32
      %get3A_390 = arith.index_cast %add3A_389 : i32 to index
      %get3A_391 = tpu.vector_load %arg6[%get3A_390] {strides = array<i32>} : memref<25600xi32, #tpu.memory_space<vmem>>, vector<16xi32>,
      %gather3A_392 = tpu.vector_load_idx %arg7[%get3A_391, %iota3A] : memref<32x16xf32, #tpu.memory_space<vmem>>[vector<16xi32>, vector<16xi32>], vector<16xf32>,
      %add3A_393 = arith.addf %add3A_387, %gather3A_392 : vector<16xf32>
      %add3A_394 = arith.constant 256 : i32
      %add3A_395 = arith.addi %mul3A_285, %add3A_394 : i32
      %get3A_396 = arith.index_cast %add3A_395 : i32 to index
      %get3A_397 = tpu.vector_load %arg6[%get3A_396] {strides = array<i32>} : memref<25600xi32, #tpu.memory_space<vmem>>, vector<16xi32>,
      %gather3A_398 = tpu.vector_load_idx %arg7[%get3A_397, %iota3A] : memref<32x16xf32, #tpu.memory_space<vmem>>[vector<16xi32>, vector<16xi32>], vector<16xf32>,
      %add3A_399 = arith.addf %add3A_393, %gather3A_398 : vector<16xf32>
      %add3A_400 = arith.constant 272 : i32
      %add3A_401 = arith.addi %mul3A_285, %add3A_400 : i32
      %get3A_402 = arith.index_cast %add3A_401 : i32 to index
      %get3A_403 = tpu.vector_load %arg6[%get3A_402] {strides = array<i32>} : memref<25600xi32, #tpu.memory_space<vmem>>, vector<16xi32>,
      %gather3A_404 = tpu.vector_load_idx %arg7[%get3A_403, %iota3A] : memref<32x16xf32, #tpu.memory_space<vmem>>[vector<16xi32>, vector<16xi32>], vector<16xf32>,
      %add3A_405 = arith.addf %add3A_399, %gather3A_404 : vector<16xf32>
      %add3A_406 = arith.constant 288 : i32
      %add3A_407 = arith.addi %mul3A_285, %add3A_406 : i32
      %get3A_408 = arith.index_cast %add3A_407 : i32 to index
      %get3A_409 = tpu.vector_load %arg6[%get3A_408] {strides = array<i32>} : memref<25600xi32, #tpu.memory_space<vmem>>, vector<16xi32>,
      %gather3A_410 = tpu.vector_load_idx %arg7[%get3A_409, %iota3A] : memref<32x16xf32, #tpu.memory_space<vmem>>[vector<16xi32>, vector<16xi32>], vector<16xf32>,
      %add3A_411 = arith.addf %add3A_405, %gather3A_410 : vector<16xf32>
      %add3A_412 = arith.constant 304 : i32
      %add3A_413 = arith.addi %mul3A_285, %add3A_412 : i32
      %get3A_414 = arith.index_cast %add3A_413 : i32 to index
      %get3A_415 = tpu.vector_load %arg6[%get3A_414] {strides = array<i32>} : memref<25600xi32, #tpu.memory_space<vmem>>, vector<16xi32>,
      %gather3A_416 = tpu.vector_load_idx %arg7[%get3A_415, %iota3A] : memref<32x16xf32, #tpu.memory_space<vmem>>[vector<16xi32>, vector<16xi32>], vector<16xf32>,
      %add3A_417 = arith.addf %add3A_411, %gather3A_416 : vector<16xf32>
      %add3A_418 = arith.constant 320 : i32
      %add3A_419 = arith.addi %mul3A_285, %add3A_418 : i32
      %get3A_420 = arith.index_cast %add3A_419 : i32 to index
      %get3A_421 = tpu.vector_load %arg6[%get3A_420] {strides = array<i32>} : memref<25600xi32, #tpu.memory_space<vmem>>, vector<16xi32>,
      %gather3A_422 = tpu.vector_load_idx %arg7[%get3A_421, %iota3A] : memref<32x16xf32, #tpu.memory_space<vmem>>[vector<16xi32>, vector<16xi32>], vector<16xf32>,
      %add3A_423 = arith.addf %add3A_417, %gather3A_422 : vector<16xf32>
      %add3A_424 = arith.constant 336 : i32
      %add3A_425 = arith.addi %mul3A_285, %add3A_424 : i32
      %get3A_426 = arith.index_cast %add3A_425 : i32 to index
      %get3A_427 = tpu.vector_load %arg6[%get3A_426] {strides = array<i32>} : memref<25600xi32, #tpu.memory_space<vmem>>, vector<16xi32>,
      %gather3A_428 = tpu.vector_load_idx %arg7[%get3A_427, %iota3A] : memref<32x16xf32, #tpu.memory_space<vmem>>[vector<16xi32>, vector<16xi32>], vector<16xf32>,
      %add3A_429 = arith.addf %add3A_423, %gather3A_428 : vector<16xf32>
      %add3A_430 = arith.constant 352 : i32
      %add3A_431 = arith.addi %mul3A_285, %add3A_430 : i32
      %get3A_432 = arith.index_cast %add3A_431 : i32 to index
      %get3A_433 = tpu.vector_load %arg6[%get3A_432] {strides = array<i32>} : memref<25600xi32, #tpu.memory_space<vmem>>, vector<16xi32>,
      %gather3A_434 = tpu.vector_load_idx %arg7[%get3A_433, %iota3A] : memref<32x16xf32, #tpu.memory_space<vmem>>[vector<16xi32>, vector<16xi32>], vector<16xf32>,
      %add3A_435 = arith.addf %add3A_429, %gather3A_434 : vector<16xf32>
      %add3A_436 = arith.constant 368 : i32
      %add3A_437 = arith.addi %mul3A_285, %add3A_436 : i32
      %get3A_438 = arith.index_cast %add3A_437 : i32 to index
      %get3A_439 = tpu.vector_load %arg6[%get3A_438] {strides = array<i32>} : memref<25600xi32, #tpu.memory_space<vmem>>, vector<16xi32>,
      %gather3A_440 = tpu.vector_load_idx %arg7[%get3A_439, %iota3A] : memref<32x16xf32, #tpu.memory_space<vmem>>[vector<16xi32>, vector<16xi32>], vector<16xf32>,
      %add3A_441 = arith.addf %add3A_435, %gather3A_440 : vector<16xf32>
      %add3A_442 = arith.constant 384 : i32
      %add3A_443 = arith.addi %mul3A_285, %add3A_442 : i32
      %get3A_444 = arith.index_cast %add3A_443 : i32 to index
      %get3A_445 = tpu.vector_load %arg6[%get3A_444] {strides = array<i32>} : memref<25600xi32, #tpu.memory_space<vmem>>, vector<16xi32>,
      %gather3A_446 = tpu.vector_load_idx %arg7[%get3A_445, %iota3A] : memref<32x16xf32, #tpu.memory_space<vmem>>[vector<16xi32>, vector<16xi32>], vector<16xf32>,
      %add3A_447 = arith.addf %add3A_441, %gather3A_446 : vector<16xf32>
      %mul3A_448 = arith.constant 2 : i32
      %mul3A_449 = arith.muli %mul3A_448, %scan3A_282 : i32
      %add3A_450 = arith.constant 128 : i32
      %add3A_451 = arith.addi %add3A_450, %mul3A_449 : i32
      %broadcast_in_dim3A_452 = vector.broadcast %add3A_451 : i32 to vector<16xi32>
      %broadcast_in_dim3A_453 = arith.constant true
      %broadcast_in_dim3A_454 = vector.broadcast %broadcast_in_dim3A_453 : i1 to vector<16xi1>
      %masked_cumsum3A = tpu.scan <sum>, %add3A_373 masked %broadcast_in_dim3A_454 : vector<16xf32>, vector<16xi1> -> vector<16xf32>
      tpu.vector_store_idx %arg8[%broadcast_in_dim3A_452], %masked_cumsum3A masked %eq3A_292 : memref<512xf32, #tpu.memory_space<vmem>>[vector<16xi32>], vector<16xf32>, vector<16xi1>
      %add3A_455 = arith.constant 1 : i32
      %add3A_456 = arith.addi %add3A_451, %add3A_455 : i32
      %broadcast_in_dim3A_457 = vector.broadcast %add3A_456 : i32 to vector<16xi32>
      %broadcast_in_dim3A_458 = arith.constant true
      %broadcast_in_dim3A_459 = vector.broadcast %broadcast_in_dim3A_458 : i1 to vector<16xi1>
      %masked_cumsum3A_460 = tpu.scan <sum>, %add3A_447 masked %broadcast_in_dim3A_459 : vector<16xf32>, vector<16xi1> -> vector<16xf32>
      tpu.vector_store_idx %arg8[%broadcast_in_dim3A_457], %masked_cumsum3A_460 masked %eq3A_292 : memref<512xf32, #tpu.memory_space<vmem>>[vector<16xi32>], vector<16xf32>, vector<16xi1>
      %scan3A_461 = arith.constant 0 : i32
      scf.yield %scan3A_461 : i32
    }
    %scan3A_35 = arith.constant 64 : i32
    %dma_wait3A_36 = tpu.memref_slice %arg2[%mul3A_26] : memref<3276800xi32, #tpu.memory_space<hbm>> -> memref<25600xi32, #tpu.memory_space<hbm>>
    %dma_wait3A_37 = tpu.memref_slice %arg2[%mul3A_26] : memref<3276800xi32, #tpu.memory_space<hbm>> -> memref<25600xi32, #tpu.memory_space<hbm>>
    tpu.wait_dma2 semaphore(%arg9 : memref<!tpu.dma_semaphore, #tpu.memory_space<semaphore_mem>>) src(%dma_wait3A_37 : memref<25600xi32, #tpu.memory_space<hbm>>) dst(%arg5 : memref<25600xi32, #tpu.memory_space<vmem>>)
    %add3A_38 = arith.constant 384 : i32
    %add3A_39 = arith.addi %mul3A_2, %add3A_38 : i32
    %mul3A_40 = arith.constant 200 : i32
    %mul3A_41 = arith.muli %add3A_39, %mul3A_40 : i32
    %dma_start3A_42 = tpu.memref_slice %arg2[%mul3A_41] : memref<3276800xi32, #tpu.memory_space<hbm>> -> memref<25600xi32, #tpu.memory_space<hbm>>
    %dma_start3A_43 = tpu.memref_slice %arg2[%mul3A_41] : memref<3276800xi32, #tpu.memory_space<hbm>> -> memref<25600xi32, #tpu.memory_space<hbm>>
    tpu.enqueue_dma source(%dma_start3A_43 : memref<25600xi32, #tpu.memory_space<hbm>>) target(%arg6 : memref<25600xi32, #tpu.memory_space<vmem>>) target_semaphore(%arg10 : memref<!tpu.dma_semaphore, #tpu.memory_space<semaphore_mem>>)
    %scan3A_44 = arith.constant 0 : i32
    %scan3A_45 = arith.constant 0 : i32
    %scan3A_46 = arith.constant 64 : i32
    %scan3A_47 = arith.addi %scan3A_45, %scan3A_46 : i32
    %scan3A_48 = arith.constant 1 : i32
    %scan3A_49 = scf.for %scan3A_282 = %scan3A_45 to %scan3A_47 step %scan3A_48 iter_args(%scan3A_283 = %scan3A_44) -> (i32)  : i32 {
      %mul3A_284 = arith.constant 400 : i32
      %mul3A_285 = arith.muli %scan3A_282, %mul3A_284 : i32
      %iota3A = tpu.iota {dimensions = array<i32: 0>} : vector<16xi32>
      %lt3A = arith.constant 8 : i32
      %lt3A_286 = vector.broadcast %lt3A : i32 to vector<16xi32>
      %lt3A_287 = arith.cmpi slt, %iota3A, %lt3A_286 : vector<16xi32>
      %convert_element_type3A = arith.extui %lt3A_287 : vector<16xi1> to vector<16xi32>
      %convert_element_type3A_288 = arith.sitofp %convert_element_type3A : vector<16xi32> to vector<16xf32>
      %sub3A = arith.constant 1.000000e+00 : f32
      %sub3A_289 = vector.broadcast %sub3A : f32 to vector<16xf32>
      %sub3A_290 = arith.subf %sub3A_289, %convert_element_type3A_288 : vector<16xf32>
      %eq3A = arith.constant 15 : i32
      %eq3A_291 = vector.broadcast %eq3A : i32 to vector<16xi32>
      %eq3A_292 = arith.cmpi eq, %iota3A, %eq3A_291 : vector<16xi32>
      %broadcast_in_dim3A = arith.constant 0.000000e+00 : f32
      %broadcast_in_dim3A_293 = vector.broadcast %broadcast_in_dim3A : f32 to vector<16xf32>
      %broadcast_in_dim3A_294 = arith.constant 0.000000e+00 : f32
      %broadcast_in_dim3A_295 = vector.broadcast %broadcast_in_dim3A_294 : f32 to vector<16xf32>
      %add3A_296 = arith.constant 0 : i32
      %add3A_297 = arith.addi %mul3A_285, %add3A_296 : i32
      %get3A_298 = arith.index_cast %add3A_297 : i32 to index
      %get3A_299 = tpu.vector_load %arg5[%get3A_298] {strides = array<i32>} : memref<25600xi32, #tpu.memory_space<vmem>>, vector<16xi32>,
      %gather3A = tpu.vector_load_idx %arg7[%get3A_299, %iota3A] : memref<32x16xf32, #tpu.memory_space<vmem>>[vector<16xi32>, vector<16xi32>], vector<16xf32>,
      %add3A_300 = arith.addf %broadcast_in_dim3A_293, %gather3A : vector<16xf32>
      %add3A_301 = arith.constant 16 : i32
      %add3A_302 = arith.addi %mul3A_285, %add3A_301 : i32
      %get3A_303 = arith.index_cast %add3A_302 : i32 to index
      %get3A_304 = tpu.vector_load %arg5[%get3A_303] {strides = array<i32>} : memref<25600xi32, #tpu.memory_space<vmem>>, vector<16xi32>,
      %gather3A_305 = tpu.vector_load_idx %arg7[%get3A_304, %iota3A] : memref<32x16xf32, #tpu.memory_space<vmem>>[vector<16xi32>, vector<16xi32>], vector<16xf32>,
      %add3A_306 = arith.addf %add3A_300, %gather3A_305 : vector<16xf32>
      %add3A_307 = arith.constant 32 : i32
      %add3A_308 = arith.addi %mul3A_285, %add3A_307 : i32
      %get3A_309 = arith.index_cast %add3A_308 : i32 to index
      %get3A_310 = tpu.vector_load %arg5[%get3A_309] {strides = array<i32>} : memref<25600xi32, #tpu.memory_space<vmem>>, vector<16xi32>,
      %gather3A_311 = tpu.vector_load_idx %arg7[%get3A_310, %iota3A] : memref<32x16xf32, #tpu.memory_space<vmem>>[vector<16xi32>, vector<16xi32>], vector<16xf32>,
      %add3A_312 = arith.addf %add3A_306, %gather3A_311 : vector<16xf32>
      %add3A_313 = arith.constant 48 : i32
      %add3A_314 = arith.addi %mul3A_285, %add3A_313 : i32
      %get3A_315 = arith.index_cast %add3A_314 : i32 to index
      %get3A_316 = tpu.vector_load %arg5[%get3A_315] {strides = array<i32>} : memref<25600xi32, #tpu.memory_space<vmem>>, vector<16xi32>,
      %gather3A_317 = tpu.vector_load_idx %arg7[%get3A_316, %iota3A] : memref<32x16xf32, #tpu.memory_space<vmem>>[vector<16xi32>, vector<16xi32>], vector<16xf32>,
      %add3A_318 = arith.addf %add3A_312, %gather3A_317 : vector<16xf32>
      %add3A_319 = arith.constant 64 : i32
      %add3A_320 = arith.addi %mul3A_285, %add3A_319 : i32
      %get3A_321 = arith.index_cast %add3A_320 : i32 to index
      %get3A_322 = tpu.vector_load %arg5[%get3A_321] {strides = array<i32>} : memref<25600xi32, #tpu.memory_space<vmem>>, vector<16xi32>,
      %gather3A_323 = tpu.vector_load_idx %arg7[%get3A_322, %iota3A] : memref<32x16xf32, #tpu.memory_space<vmem>>[vector<16xi32>, vector<16xi32>], vector<16xf32>,
      %add3A_324 = arith.addf %add3A_318, %gather3A_323 : vector<16xf32>
      %add3A_325 = arith.constant 80 : i32
      %add3A_326 = arith.addi %mul3A_285, %add3A_325 : i32
      %get3A_327 = arith.index_cast %add3A_326 : i32 to index
      %get3A_328 = tpu.vector_load %arg5[%get3A_327] {strides = array<i32>} : memref<25600xi32, #tpu.memory_space<vmem>>, vector<16xi32>,
      %gather3A_329 = tpu.vector_load_idx %arg7[%get3A_328, %iota3A] : memref<32x16xf32, #tpu.memory_space<vmem>>[vector<16xi32>, vector<16xi32>], vector<16xf32>,
      %add3A_330 = arith.addf %add3A_324, %gather3A_329 : vector<16xf32>
      %add3A_331 = arith.constant 96 : i32
      %add3A_332 = arith.addi %mul3A_285, %add3A_331 : i32
      %get3A_333 = arith.index_cast %add3A_332 : i32 to index
      %get3A_334 = tpu.vector_load %arg5[%get3A_333] {strides = array<i32>} : memref<25600xi32, #tpu.memory_space<vmem>>, vector<16xi32>,
      %gather3A_335 = tpu.vector_load_idx %arg7[%get3A_334, %iota3A] : memref<32x16xf32, #tpu.memory_space<vmem>>[vector<16xi32>, vector<16xi32>], vector<16xf32>,
      %add3A_336 = arith.addf %add3A_330, %gather3A_335 : vector<16xf32>
      %add3A_337 = arith.constant 112 : i32
      %add3A_338 = arith.addi %mul3A_285, %add3A_337 : i32
      %get3A_339 = arith.index_cast %add3A_338 : i32 to index
      %get3A_340 = tpu.vector_load %arg5[%get3A_339] {strides = array<i32>} : memref<25600xi32, #tpu.memory_space<vmem>>, vector<16xi32>,
      %gather3A_341 = tpu.vector_load_idx %arg7[%get3A_340, %iota3A] : memref<32x16xf32, #tpu.memory_space<vmem>>[vector<16xi32>, vector<16xi32>], vector<16xf32>,
      %add3A_342 = arith.addf %add3A_336, %gather3A_341 : vector<16xf32>
      %add3A_343 = arith.constant 128 : i32
      %add3A_344 = arith.addi %mul3A_285, %add3A_343 : i32
      %get3A_345 = arith.index_cast %add3A_344 : i32 to index
      %get3A_346 = tpu.vector_load %arg5[%get3A_345] {strides = array<i32>} : memref<25600xi32, #tpu.memory_space<vmem>>, vector<16xi32>,
      %gather3A_347 = tpu.vector_load_idx %arg7[%get3A_346, %iota3A] : memref<32x16xf32, #tpu.memory_space<vmem>>[vector<16xi32>, vector<16xi32>], vector<16xf32>,
      %add3A_348 = arith.addf %add3A_342, %gather3A_347 : vector<16xf32>
      %add3A_349 = arith.constant 144 : i32
      %add3A_350 = arith.addi %mul3A_285, %add3A_349 : i32
      %get3A_351 = arith.index_cast %add3A_350 : i32 to index
      %get3A_352 = tpu.vector_load %arg5[%get3A_351] {strides = array<i32>} : memref<25600xi32, #tpu.memory_space<vmem>>, vector<16xi32>,
      %gather3A_353 = tpu.vector_load_idx %arg7[%get3A_352, %iota3A] : memref<32x16xf32, #tpu.memory_space<vmem>>[vector<16xi32>, vector<16xi32>], vector<16xf32>,
      %add3A_354 = arith.addf %add3A_348, %gather3A_353 : vector<16xf32>
      %add3A_355 = arith.constant 160 : i32
      %add3A_356 = arith.addi %mul3A_285, %add3A_355 : i32
      %get3A_357 = arith.index_cast %add3A_356 : i32 to index
      %get3A_358 = tpu.vector_load %arg5[%get3A_357] {strides = array<i32>} : memref<25600xi32, #tpu.memory_space<vmem>>, vector<16xi32>,
      %gather3A_359 = tpu.vector_load_idx %arg7[%get3A_358, %iota3A] : memref<32x16xf32, #tpu.memory_space<vmem>>[vector<16xi32>, vector<16xi32>], vector<16xf32>,
      %add3A_360 = arith.addf %add3A_354, %gather3A_359 : vector<16xf32>
      %add3A_361 = arith.constant 176 : i32
      %add3A_362 = arith.addi %mul3A_285, %add3A_361 : i32
      %get3A_363 = arith.index_cast %add3A_362 : i32 to index
      %get3A_364 = tpu.vector_load %arg5[%get3A_363] {strides = array<i32>} : memref<25600xi32, #tpu.memory_space<vmem>>, vector<16xi32>,
      %gather3A_365 = tpu.vector_load_idx %arg7[%get3A_364, %iota3A] : memref<32x16xf32, #tpu.memory_space<vmem>>[vector<16xi32>, vector<16xi32>], vector<16xf32>,
      %add3A_366 = arith.addf %add3A_360, %gather3A_365 : vector<16xf32>
      %add3A_367 = arith.constant 192 : i32
      %add3A_368 = arith.addi %mul3A_285, %add3A_367 : i32
      %get3A_369 = arith.index_cast %add3A_368 : i32 to index
      %get3A_370 = tpu.vector_load %arg5[%get3A_369] {strides = array<i32>} : memref<25600xi32, #tpu.memory_space<vmem>>, vector<16xi32>,
      %gather3A_371 = tpu.vector_load_idx %arg7[%get3A_370, %iota3A] : memref<32x16xf32, #tpu.memory_space<vmem>>[vector<16xi32>, vector<16xi32>], vector<16xf32>,
      %mul3A_372 = arith.mulf %gather3A_371, %convert_element_type3A_288 : vector<16xf32>
      %add3A_373 = arith.addf %add3A_366, %mul3A_372 : vector<16xf32>
      %mul3A_374 = arith.mulf %gather3A_371, %sub3A_290 : vector<16xf32>
      %add3A_375 = arith.addf %broadcast_in_dim3A_295, %mul3A_374 : vector<16xf32>
      %add3A_376 = arith.constant 208 : i32
      %add3A_377 = arith.addi %mul3A_285, %add3A_376 : i32
      %get3A_378 = arith.index_cast %add3A_377 : i32 to index
      %get3A_379 = tpu.vector_load %arg5[%get3A_378] {strides = array<i32>} : memref<25600xi32, #tpu.memory_space<vmem>>, vector<16xi32>,
      %gather3A_380 = tpu.vector_load_idx %arg7[%get3A_379, %iota3A] : memref<32x16xf32, #tpu.memory_space<vmem>>[vector<16xi32>, vector<16xi32>], vector<16xf32>,
      %add3A_381 = arith.addf %add3A_375, %gather3A_380 : vector<16xf32>
      %add3A_382 = arith.constant 224 : i32
      %add3A_383 = arith.addi %mul3A_285, %add3A_382 : i32
      %get3A_384 = arith.index_cast %add3A_383 : i32 to index
      %get3A_385 = tpu.vector_load %arg5[%get3A_384] {strides = array<i32>} : memref<25600xi32, #tpu.memory_space<vmem>>, vector<16xi32>,
      %gather3A_386 = tpu.vector_load_idx %arg7[%get3A_385, %iota3A] : memref<32x16xf32, #tpu.memory_space<vmem>>[vector<16xi32>, vector<16xi32>], vector<16xf32>,
      %add3A_387 = arith.addf %add3A_381, %gather3A_386 : vector<16xf32>
      %add3A_388 = arith.constant 240 : i32
      %add3A_389 = arith.addi %mul3A_285, %add3A_388 : i32
      %get3A_390 = arith.index_cast %add3A_389 : i32 to index
      %get3A_391 = tpu.vector_load %arg5[%get3A_390] {strides = array<i32>} : memref<25600xi32, #tpu.memory_space<vmem>>, vector<16xi32>,
      %gather3A_392 = tpu.vector_load_idx %arg7[%get3A_391, %iota3A] : memref<32x16xf32, #tpu.memory_space<vmem>>[vector<16xi32>, vector<16xi32>], vector<16xf32>,
      %add3A_393 = arith.addf %add3A_387, %gather3A_392 : vector<16xf32>
      %add3A_394 = arith.constant 256 : i32
      %add3A_395 = arith.addi %mul3A_285, %add3A_394 : i32
      %get3A_396 = arith.index_cast %add3A_395 : i32 to index
      %get3A_397 = tpu.vector_load %arg5[%get3A_396] {strides = array<i32>} : memref<25600xi32, #tpu.memory_space<vmem>>, vector<16xi32>,
      %gather3A_398 = tpu.vector_load_idx %arg7[%get3A_397, %iota3A] : memref<32x16xf32, #tpu.memory_space<vmem>>[vector<16xi32>, vector<16xi32>], vector<16xf32>,
      %add3A_399 = arith.addf %add3A_393, %gather3A_398 : vector<16xf32>
      %add3A_400 = arith.constant 272 : i32
      %add3A_401 = arith.addi %mul3A_285, %add3A_400 : i32
      %get3A_402 = arith.index_cast %add3A_401 : i32 to index
      %get3A_403 = tpu.vector_load %arg5[%get3A_402] {strides = array<i32>} : memref<25600xi32, #tpu.memory_space<vmem>>, vector<16xi32>,
      %gather3A_404 = tpu.vector_load_idx %arg7[%get3A_403, %iota3A] : memref<32x16xf32, #tpu.memory_space<vmem>>[vector<16xi32>, vector<16xi32>], vector<16xf32>,
      %add3A_405 = arith.addf %add3A_399, %gather3A_404 : vector<16xf32>
      %add3A_406 = arith.constant 288 : i32
      %add3A_407 = arith.addi %mul3A_285, %add3A_406 : i32
      %get3A_408 = arith.index_cast %add3A_407 : i32 to index
      %get3A_409 = tpu.vector_load %arg5[%get3A_408] {strides = array<i32>} : memref<25600xi32, #tpu.memory_space<vmem>>, vector<16xi32>,
      %gather3A_410 = tpu.vector_load_idx %arg7[%get3A_409, %iota3A] : memref<32x16xf32, #tpu.memory_space<vmem>>[vector<16xi32>, vector<16xi32>], vector<16xf32>,
      %add3A_411 = arith.addf %add3A_405, %gather3A_410 : vector<16xf32>
      %add3A_412 = arith.constant 304 : i32
      %add3A_413 = arith.addi %mul3A_285, %add3A_412 : i32
      %get3A_414 = arith.index_cast %add3A_413 : i32 to index
      %get3A_415 = tpu.vector_load %arg5[%get3A_414] {strides = array<i32>} : memref<25600xi32, #tpu.memory_space<vmem>>, vector<16xi32>,
      %gather3A_416 = tpu.vector_load_idx %arg7[%get3A_415, %iota3A] : memref<32x16xf32, #tpu.memory_space<vmem>>[vector<16xi32>, vector<16xi32>], vector<16xf32>,
      %add3A_417 = arith.addf %add3A_411, %gather3A_416 : vector<16xf32>
      %add3A_418 = arith.constant 320 : i32
      %add3A_419 = arith.addi %mul3A_285, %add3A_418 : i32
      %get3A_420 = arith.index_cast %add3A_419 : i32 to index
      %get3A_421 = tpu.vector_load %arg5[%get3A_420] {strides = array<i32>} : memref<25600xi32, #tpu.memory_space<vmem>>, vector<16xi32>,
      %gather3A_422 = tpu.vector_load_idx %arg7[%get3A_421, %iota3A] : memref<32x16xf32, #tpu.memory_space<vmem>>[vector<16xi32>, vector<16xi32>], vector<16xf32>,
      %add3A_423 = arith.addf %add3A_417, %gather3A_422 : vector<16xf32>
      %add3A_424 = arith.constant 336 : i32
      %add3A_425 = arith.addi %mul3A_285, %add3A_424 : i32
      %get3A_426 = arith.index_cast %add3A_425 : i32 to index
      %get3A_427 = tpu.vector_load %arg5[%get3A_426] {strides = array<i32>} : memref<25600xi32, #tpu.memory_space<vmem>>, vector<16xi32>,
      %gather3A_428 = tpu.vector_load_idx %arg7[%get3A_427, %iota3A] : memref<32x16xf32, #tpu.memory_space<vmem>>[vector<16xi32>, vector<16xi32>], vector<16xf32>,
      %add3A_429 = arith.addf %add3A_423, %gather3A_428 : vector<16xf32>
      %add3A_430 = arith.constant 352 : i32
      %add3A_431 = arith.addi %mul3A_285, %add3A_430 : i32
      %get3A_432 = arith.index_cast %add3A_431 : i32 to index
      %get3A_433 = tpu.vector_load %arg5[%get3A_432] {strides = array<i32>} : memref<25600xi32, #tpu.memory_space<vmem>>, vector<16xi32>,
      %gather3A_434 = tpu.vector_load_idx %arg7[%get3A_433, %iota3A] : memref<32x16xf32, #tpu.memory_space<vmem>>[vector<16xi32>, vector<16xi32>], vector<16xf32>,
      %add3A_435 = arith.addf %add3A_429, %gather3A_434 : vector<16xf32>
      %add3A_436 = arith.constant 368 : i32
      %add3A_437 = arith.addi %mul3A_285, %add3A_436 : i32
      %get3A_438 = arith.index_cast %add3A_437 : i32 to index
      %get3A_439 = tpu.vector_load %arg5[%get3A_438] {strides = array<i32>} : memref<25600xi32, #tpu.memory_space<vmem>>, vector<16xi32>,
      %gather3A_440 = tpu.vector_load_idx %arg7[%get3A_439, %iota3A] : memref<32x16xf32, #tpu.memory_space<vmem>>[vector<16xi32>, vector<16xi32>], vector<16xf32>,
      %add3A_441 = arith.addf %add3A_435, %gather3A_440 : vector<16xf32>
      %add3A_442 = arith.constant 384 : i32
      %add3A_443 = arith.addi %mul3A_285, %add3A_442 : i32
      %get3A_444 = arith.index_cast %add3A_443 : i32 to index
      %get3A_445 = tpu.vector_load %arg5[%get3A_444] {strides = array<i32>} : memref<25600xi32, #tpu.memory_space<vmem>>, vector<16xi32>,
      %gather3A_446 = tpu.vector_load_idx %arg7[%get3A_445, %iota3A] : memref<32x16xf32, #tpu.memory_space<vmem>>[vector<16xi32>, vector<16xi32>], vector<16xf32>,
      %add3A_447 = arith.addf %add3A_441, %gather3A_446 : vector<16xf32>
      %mul3A_448 = arith.constant 2 : i32
      %mul3A_449 = arith.muli %mul3A_448, %scan3A_282 : i32
      %add3A_450 = arith.constant 256 : i32
      %add3A_451 = arith.addi %add3A_450, %mul3A_449 : i32
      %broadcast_in_dim3A_452 = vector.broadcast %add3A_451 : i32 to vector<16xi32>
      %broadcast_in_dim3A_453 = arith.constant true
      %broadcast_in_dim3A_454 = vector.broadcast %broadcast_in_dim3A_453 : i1 to vector<16xi1>
      %masked_cumsum3A = tpu.scan <sum>, %add3A_373 masked %broadcast_in_dim3A_454 : vector<16xf32>, vector<16xi1> -> vector<16xf32>
      tpu.vector_store_idx %arg8[%broadcast_in_dim3A_452], %masked_cumsum3A masked %eq3A_292 : memref<512xf32, #tpu.memory_space<vmem>>[vector<16xi32>], vector<16xf32>, vector<16xi1>
      %add3A_455 = arith.constant 1 : i32
      %add3A_456 = arith.addi %add3A_451, %add3A_455 : i32
      %broadcast_in_dim3A_457 = vector.broadcast %add3A_456 : i32 to vector<16xi32>
      %broadcast_in_dim3A_458 = arith.constant true
      %broadcast_in_dim3A_459 = vector.broadcast %broadcast_in_dim3A_458 : i1 to vector<16xi1>
      %masked_cumsum3A_460 = tpu.scan <sum>, %add3A_447 masked %broadcast_in_dim3A_459 : vector<16xf32>, vector<16xi1> -> vector<16xf32>
      tpu.vector_store_idx %arg8[%broadcast_in_dim3A_457], %masked_cumsum3A_460 masked %eq3A_292 : memref<512xf32, #tpu.memory_space<vmem>>[vector<16xi32>], vector<16xf32>, vector<16xi1>
      %scan3A_461 = arith.constant 0 : i32
      scf.yield %scan3A_461 : i32
    }
    %scan3A_50 = arith.constant 64 : i32
    %dma_wait3A_51 = tpu.memref_slice %arg2[%mul3A_41] : memref<3276800xi32, #tpu.memory_space<hbm>> -> memref<25600xi32, #tpu.memory_space<hbm>>
    %dma_wait3A_52 = tpu.memref_slice %arg2[%mul3A_41] : memref<3276800xi32, #tpu.memory_space<hbm>> -> memref<25600xi32, #tpu.memory_space<hbm>>
    tpu.wait_dma2 semaphore(%arg10 : memref<!tpu.dma_semaphore, #tpu.memory_space<semaphore_mem>>) src(%dma_wait3A_52 : memref<25600xi32, #tpu.memory_space<hbm>>) dst(%arg6 : memref<25600xi32, #tpu.memory_space<vmem>>)
    %scan3A_53 = arith.constant 0 : i32
    %scan3A_54 = arith.constant 0 : i32
    %scan3A_55 = arith.constant 64 : i32
    %scan3A_56 = arith.addi %scan3A_54, %scan3A_55 : i32
    %scan3A_57 = arith.constant 1 : i32
    %scan3A_58 = scf.for %scan3A_282 = %scan3A_54 to %scan3A_56 step %scan3A_57 iter_args(%scan3A_283 = %scan3A_53) -> (i32)  : i32 {
      %mul3A_284 = arith.constant 400 : i32
      %mul3A_285 = arith.muli %scan3A_282, %mul3A_284 : i32
      %iota3A = tpu.iota {dimensions = array<i32: 0>} : vector<16xi32>
      %lt3A = arith.constant 8 : i32
      %lt3A_286 = vector.broadcast %lt3A : i32 to vector<16xi32>
      %lt3A_287 = arith.cmpi slt, %iota3A, %lt3A_286 : vector<16xi32>
      %convert_element_type3A = arith.extui %lt3A_287 : vector<16xi1> to vector<16xi32>
      %convert_element_type3A_288 = arith.sitofp %convert_element_type3A : vector<16xi32> to vector<16xf32>
      %sub3A = arith.constant 1.000000e+00 : f32
      %sub3A_289 = vector.broadcast %sub3A : f32 to vector<16xf32>
      %sub3A_290 = arith.subf %sub3A_289, %convert_element_type3A_288 : vector<16xf32>
      %eq3A = arith.constant 15 : i32
      %eq3A_291 = vector.broadcast %eq3A : i32 to vector<16xi32>
      %eq3A_292 = arith.cmpi eq, %iota3A, %eq3A_291 : vector<16xi32>
      %broadcast_in_dim3A = arith.constant 0.000000e+00 : f32
      %broadcast_in_dim3A_293 = vector.broadcast %broadcast_in_dim3A : f32 to vector<16xf32>
      %broadcast_in_dim3A_294 = arith.constant 0.000000e+00 : f32
      %broadcast_in_dim3A_295 = vector.broadcast %broadcast_in_dim3A_294 : f32 to vector<16xf32>
      %add3A_296 = arith.constant 0 : i32
      %add3A_297 = arith.addi %mul3A_285, %add3A_296 : i32
      %get3A_298 = arith.index_cast %add3A_297 : i32 to index
      %get3A_299 = tpu.vector_load %arg6[%get3A_298] {strides = array<i32>} : memref<25600xi32, #tpu.memory_space<vmem>>, vector<16xi32>,
      %gather3A = tpu.vector_load_idx %arg7[%get3A_299, %iota3A] : memref<32x16xf32, #tpu.memory_space<vmem>>[vector<16xi32>, vector<16xi32>], vector<16xf32>,
      %add3A_300 = arith.addf %broadcast_in_dim3A_293, %gather3A : vector<16xf32>
      %add3A_301 = arith.constant 16 : i32
      %add3A_302 = arith.addi %mul3A_285, %add3A_301 : i32
      %get3A_303 = arith.index_cast %add3A_302 : i32 to index
      %get3A_304 = tpu.vector_load %arg6[%get3A_303] {strides = array<i32>} : memref<25600xi32, #tpu.memory_space<vmem>>, vector<16xi32>,
      %gather3A_305 = tpu.vector_load_idx %arg7[%get3A_304, %iota3A] : memref<32x16xf32, #tpu.memory_space<vmem>>[vector<16xi32>, vector<16xi32>], vector<16xf32>,
      %add3A_306 = arith.addf %add3A_300, %gather3A_305 : vector<16xf32>
      %add3A_307 = arith.constant 32 : i32
      %add3A_308 = arith.addi %mul3A_285, %add3A_307 : i32
      %get3A_309 = arith.index_cast %add3A_308 : i32 to index
      %get3A_310 = tpu.vector_load %arg6[%get3A_309] {strides = array<i32>} : memref<25600xi32, #tpu.memory_space<vmem>>, vector<16xi32>,
      %gather3A_311 = tpu.vector_load_idx %arg7[%get3A_310, %iota3A] : memref<32x16xf32, #tpu.memory_space<vmem>>[vector<16xi32>, vector<16xi32>], vector<16xf32>,
      %add3A_312 = arith.addf %add3A_306, %gather3A_311 : vector<16xf32>
      %add3A_313 = arith.constant 48 : i32
      %add3A_314 = arith.addi %mul3A_285, %add3A_313 : i32
      %get3A_315 = arith.index_cast %add3A_314 : i32 to index
      %get3A_316 = tpu.vector_load %arg6[%get3A_315] {strides = array<i32>} : memref<25600xi32, #tpu.memory_space<vmem>>, vector<16xi32>,
      %gather3A_317 = tpu.vector_load_idx %arg7[%get3A_316, %iota3A] : memref<32x16xf32, #tpu.memory_space<vmem>>[vector<16xi32>, vector<16xi32>], vector<16xf32>,
      %add3A_318 = arith.addf %add3A_312, %gather3A_317 : vector<16xf32>
      %add3A_319 = arith.constant 64 : i32
      %add3A_320 = arith.addi %mul3A_285, %add3A_319 : i32
      %get3A_321 = arith.index_cast %add3A_320 : i32 to index
      %get3A_322 = tpu.vector_load %arg6[%get3A_321] {strides = array<i32>} : memref<25600xi32, #tpu.memory_space<vmem>>, vector<16xi32>,
      %gather3A_323 = tpu.vector_load_idx %arg7[%get3A_322, %iota3A] : memref<32x16xf32, #tpu.memory_space<vmem>>[vector<16xi32>, vector<16xi32>], vector<16xf32>,
      %add3A_324 = arith.addf %add3A_318, %gather3A_323 : vector<16xf32>
      %add3A_325 = arith.constant 80 : i32
      %add3A_326 = arith.addi %mul3A_285, %add3A_325 : i32
      %get3A_327 = arith.index_cast %add3A_326 : i32 to index
      %get3A_328 = tpu.vector_load %arg6[%get3A_327] {strides = array<i32>} : memref<25600xi32, #tpu.memory_space<vmem>>, vector<16xi32>,
      %gather3A_329 = tpu.vector_load_idx %arg7[%get3A_328, %iota3A] : memref<32x16xf32, #tpu.memory_space<vmem>>[vector<16xi32>, vector<16xi32>], vector<16xf32>,
      %add3A_330 = arith.addf %add3A_324, %gather3A_329 : vector<16xf32>
      %add3A_331 = arith.constant 96 : i32
      %add3A_332 = arith.addi %mul3A_285, %add3A_331 : i32
      %get3A_333 = arith.index_cast %add3A_332 : i32 to index
      %get3A_334 = tpu.vector_load %arg6[%get3A_333] {strides = array<i32>} : memref<25600xi32, #tpu.memory_space<vmem>>, vector<16xi32>,
      %gather3A_335 = tpu.vector_load_idx %arg7[%get3A_334, %iota3A] : memref<32x16xf32, #tpu.memory_space<vmem>>[vector<16xi32>, vector<16xi32>], vector<16xf32>,
      %add3A_336 = arith.addf %add3A_330, %gather3A_335 : vector<16xf32>
      %add3A_337 = arith.constant 112 : i32
      %add3A_338 = arith.addi %mul3A_285, %add3A_337 : i32
      %get3A_339 = arith.index_cast %add3A_338 : i32 to index
      %get3A_340 = tpu.vector_load %arg6[%get3A_339] {strides = array<i32>} : memref<25600xi32, #tpu.memory_space<vmem>>, vector<16xi32>,
      %gather3A_341 = tpu.vector_load_idx %arg7[%get3A_340, %iota3A] : memref<32x16xf32, #tpu.memory_space<vmem>>[vector<16xi32>, vector<16xi32>], vector<16xf32>,
      %add3A_342 = arith.addf %add3A_336, %gather3A_341 : vector<16xf32>
      %add3A_343 = arith.constant 128 : i32
      %add3A_344 = arith.addi %mul3A_285, %add3A_343 : i32
      %get3A_345 = arith.index_cast %add3A_344 : i32 to index
      %get3A_346 = tpu.vector_load %arg6[%get3A_345] {strides = array<i32>} : memref<25600xi32, #tpu.memory_space<vmem>>, vector<16xi32>,
      %gather3A_347 = tpu.vector_load_idx %arg7[%get3A_346, %iota3A] : memref<32x16xf32, #tpu.memory_space<vmem>>[vector<16xi32>, vector<16xi32>], vector<16xf32>,
      %add3A_348 = arith.addf %add3A_342, %gather3A_347 : vector<16xf32>
      %add3A_349 = arith.constant 144 : i32
      %add3A_350 = arith.addi %mul3A_285, %add3A_349 : i32
      %get3A_351 = arith.index_cast %add3A_350 : i32 to index
      %get3A_352 = tpu.vector_load %arg6[%get3A_351] {strides = array<i32>} : memref<25600xi32, #tpu.memory_space<vmem>>, vector<16xi32>,
      %gather3A_353 = tpu.vector_load_idx %arg7[%get3A_352, %iota3A] : memref<32x16xf32, #tpu.memory_space<vmem>>[vector<16xi32>, vector<16xi32>], vector<16xf32>,
      %add3A_354 = arith.addf %add3A_348, %gather3A_353 : vector<16xf32>
      %add3A_355 = arith.constant 160 : i32
      %add3A_356 = arith.addi %mul3A_285, %add3A_355 : i32
      %get3A_357 = arith.index_cast %add3A_356 : i32 to index
      %get3A_358 = tpu.vector_load %arg6[%get3A_357] {strides = array<i32>} : memref<25600xi32, #tpu.memory_space<vmem>>, vector<16xi32>,
      %gather3A_359 = tpu.vector_load_idx %arg7[%get3A_358, %iota3A] : memref<32x16xf32, #tpu.memory_space<vmem>>[vector<16xi32>, vector<16xi32>], vector<16xf32>,
      %add3A_360 = arith.addf %add3A_354, %gather3A_359 : vector<16xf32>
      %add3A_361 = arith.constant 176 : i32
      %add3A_362 = arith.addi %mul3A_285, %add3A_361 : i32
      %get3A_363 = arith.index_cast %add3A_362 : i32 to index
      %get3A_364 = tpu.vector_load %arg6[%get3A_363] {strides = array<i32>} : memref<25600xi32, #tpu.memory_space<vmem>>, vector<16xi32>,
      %gather3A_365 = tpu.vector_load_idx %arg7[%get3A_364, %iota3A] : memref<32x16xf32, #tpu.memory_space<vmem>>[vector<16xi32>, vector<16xi32>], vector<16xf32>,
      %add3A_366 = arith.addf %add3A_360, %gather3A_365 : vector<16xf32>
      %add3A_367 = arith.constant 192 : i32
      %add3A_368 = arith.addi %mul3A_285, %add3A_367 : i32
      %get3A_369 = arith.index_cast %add3A_368 : i32 to index
      %get3A_370 = tpu.vector_load %arg6[%get3A_369] {strides = array<i32>} : memref<25600xi32, #tpu.memory_space<vmem>>, vector<16xi32>,
      %gather3A_371 = tpu.vector_load_idx %arg7[%get3A_370, %iota3A] : memref<32x16xf32, #tpu.memory_space<vmem>>[vector<16xi32>, vector<16xi32>], vector<16xf32>,
      %mul3A_372 = arith.mulf %gather3A_371, %convert_element_type3A_288 : vector<16xf32>
      %add3A_373 = arith.addf %add3A_366, %mul3A_372 : vector<16xf32>
      %mul3A_374 = arith.mulf %gather3A_371, %sub3A_290 : vector<16xf32>
      %add3A_375 = arith.addf %broadcast_in_dim3A_295, %mul3A_374 : vector<16xf32>
      %add3A_376 = arith.constant 208 : i32
      %add3A_377 = arith.addi %mul3A_285, %add3A_376 : i32
      %get3A_378 = arith.index_cast %add3A_377 : i32 to index
      %get3A_379 = tpu.vector_load %arg6[%get3A_378] {strides = array<i32>} : memref<25600xi32, #tpu.memory_space<vmem>>, vector<16xi32>,
      %gather3A_380 = tpu.vector_load_idx %arg7[%get3A_379, %iota3A] : memref<32x16xf32, #tpu.memory_space<vmem>>[vector<16xi32>, vector<16xi32>], vector<16xf32>,
      %add3A_381 = arith.addf %add3A_375, %gather3A_380 : vector<16xf32>
      %add3A_382 = arith.constant 224 : i32
      %add3A_383 = arith.addi %mul3A_285, %add3A_382 : i32
      %get3A_384 = arith.index_cast %add3A_383 : i32 to index
      %get3A_385 = tpu.vector_load %arg6[%get3A_384] {strides = array<i32>} : memref<25600xi32, #tpu.memory_space<vmem>>, vector<16xi32>,
      %gather3A_386 = tpu.vector_load_idx %arg7[%get3A_385, %iota3A] : memref<32x16xf32, #tpu.memory_space<vmem>>[vector<16xi32>, vector<16xi32>], vector<16xf32>,
      %add3A_387 = arith.addf %add3A_381, %gather3A_386 : vector<16xf32>
      %add3A_388 = arith.constant 240 : i32
      %add3A_389 = arith.addi %mul3A_285, %add3A_388 : i32
      %get3A_390 = arith.index_cast %add3A_389 : i32 to index
      %get3A_391 = tpu.vector_load %arg6[%get3A_390] {strides = array<i32>} : memref<25600xi32, #tpu.memory_space<vmem>>, vector<16xi32>,
      %gather3A_392 = tpu.vector_load_idx %arg7[%get3A_391, %iota3A] : memref<32x16xf32, #tpu.memory_space<vmem>>[vector<16xi32>, vector<16xi32>], vector<16xf32>,
      %add3A_393 = arith.addf %add3A_387, %gather3A_392 : vector<16xf32>
      %add3A_394 = arith.constant 256 : i32
      %add3A_395 = arith.addi %mul3A_285, %add3A_394 : i32
      %get3A_396 = arith.index_cast %add3A_395 : i32 to index
      %get3A_397 = tpu.vector_load %arg6[%get3A_396] {strides = array<i32>} : memref<25600xi32, #tpu.memory_space<vmem>>, vector<16xi32>,
      %gather3A_398 = tpu.vector_load_idx %arg7[%get3A_397, %iota3A] : memref<32x16xf32, #tpu.memory_space<vmem>>[vector<16xi32>, vector<16xi32>], vector<16xf32>,
      %add3A_399 = arith.addf %add3A_393, %gather3A_398 : vector<16xf32>
      %add3A_400 = arith.constant 272 : i32
      %add3A_401 = arith.addi %mul3A_285, %add3A_400 : i32
      %get3A_402 = arith.index_cast %add3A_401 : i32 to index
      %get3A_403 = tpu.vector_load %arg6[%get3A_402] {strides = array<i32>} : memref<25600xi32, #tpu.memory_space<vmem>>, vector<16xi32>,
      %gather3A_404 = tpu.vector_load_idx %arg7[%get3A_403, %iota3A] : memref<32x16xf32, #tpu.memory_space<vmem>>[vector<16xi32>, vector<16xi32>], vector<16xf32>,
      %add3A_405 = arith.addf %add3A_399, %gather3A_404 : vector<16xf32>
      %add3A_406 = arith.constant 288 : i32
      %add3A_407 = arith.addi %mul3A_285, %add3A_406 : i32
      %get3A_408 = arith.index_cast %add3A_407 : i32 to index
      %get3A_409 = tpu.vector_load %arg6[%get3A_408] {strides = array<i32>} : memref<25600xi32, #tpu.memory_space<vmem>>, vector<16xi32>,
      %gather3A_410 = tpu.vector_load_idx %arg7[%get3A_409, %iota3A] : memref<32x16xf32, #tpu.memory_space<vmem>>[vector<16xi32>, vector<16xi32>], vector<16xf32>,
      %add3A_411 = arith.addf %add3A_405, %gather3A_410 : vector<16xf32>
      %add3A_412 = arith.constant 304 : i32
      %add3A_413 = arith.addi %mul3A_285, %add3A_412 : i32
      %get3A_414 = arith.index_cast %add3A_413 : i32 to index
      %get3A_415 = tpu.vector_load %arg6[%get3A_414] {strides = array<i32>} : memref<25600xi32, #tpu.memory_space<vmem>>, vector<16xi32>,
      %gather3A_416 = tpu.vector_load_idx %arg7[%get3A_415, %iota3A] : memref<32x16xf32, #tpu.memory_space<vmem>>[vector<16xi32>, vector<16xi32>], vector<16xf32>,
      %add3A_417 = arith.addf %add3A_411, %gather3A_416 : vector<16xf32>
      %add3A_418 = arith.constant 320 : i32
      %add3A_419 = arith.addi %mul3A_285, %add3A_418 : i32
      %get3A_420 = arith.index_cast %add3A_419 : i32 to index
      %get3A_421 = tpu.vector_load %arg6[%get3A_420] {strides = array<i32>} : memref<25600xi32, #tpu.memory_space<vmem>>, vector<16xi32>,
      %gather3A_422 = tpu.vector_load_idx %arg7[%get3A_421, %iota3A] : memref<32x16xf32, #tpu.memory_space<vmem>>[vector<16xi32>, vector<16xi32>], vector<16xf32>,
      %add3A_423 = arith.addf %add3A_417, %gather3A_422 : vector<16xf32>
      %add3A_424 = arith.constant 336 : i32
      %add3A_425 = arith.addi %mul3A_285, %add3A_424 : i32
      %get3A_426 = arith.index_cast %add3A_425 : i32 to index
      %get3A_427 = tpu.vector_load %arg6[%get3A_426] {strides = array<i32>} : memref<25600xi32, #tpu.memory_space<vmem>>, vector<16xi32>,
      %gather3A_428 = tpu.vector_load_idx %arg7[%get3A_427, %iota3A] : memref<32x16xf32, #tpu.memory_space<vmem>>[vector<16xi32>, vector<16xi32>], vector<16xf32>,
      %add3A_429 = arith.addf %add3A_423, %gather3A_428 : vector<16xf32>
      %add3A_430 = arith.constant 352 : i32
      %add3A_431 = arith.addi %mul3A_285, %add3A_430 : i32
      %get3A_432 = arith.index_cast %add3A_431 : i32 to index
      %get3A_433 = tpu.vector_load %arg6[%get3A_432] {strides = array<i32>} : memref<25600xi32, #tpu.memory_space<vmem>>, vector<16xi32>,
      %gather3A_434 = tpu.vector_load_idx %arg7[%get3A_433, %iota3A] : memref<32x16xf32, #tpu.memory_space<vmem>>[vector<16xi32>, vector<16xi32>], vector<16xf32>,
      %add3A_435 = arith.addf %add3A_429, %gather3A_434 : vector<16xf32>
      %add3A_436 = arith.constant 368 : i32
      %add3A_437 = arith.addi %mul3A_285, %add3A_436 : i32
      %get3A_438 = arith.index_cast %add3A_437 : i32 to index
      %get3A_439 = tpu.vector_load %arg6[%get3A_438] {strides = array<i32>} : memref<25600xi32, #tpu.memory_space<vmem>>, vector<16xi32>,
      %gather3A_440 = tpu.vector_load_idx %arg7[%get3A_439, %iota3A] : memref<32x16xf32, #tpu.memory_space<vmem>>[vector<16xi32>, vector<16xi32>], vector<16xf32>,
      %add3A_441 = arith.addf %add3A_435, %gather3A_440 : vector<16xf32>
      %add3A_442 = arith.constant 384 : i32
      %add3A_443 = arith.addi %mul3A_285, %add3A_442 : i32
      %get3A_444 = arith.index_cast %add3A_443 : i32 to index
      %get3A_445 = tpu.vector_load %arg6[%get3A_444] {strides = array<i32>} : memref<25600xi32, #tpu.memory_space<vmem>>, vector<16xi32>,
      %gather3A_446 = tpu.vector_load_idx %arg7[%get3A_445, %iota3A] : memref<32x16xf32, #tpu.memory_space<vmem>>[vector<16xi32>, vector<16xi32>], vector<16xf32>,
      %add3A_447 = arith.addf %add3A_441, %gather3A_446 : vector<16xf32>
      %mul3A_448 = arith.constant 2 : i32
      %mul3A_449 = arith.muli %mul3A_448, %scan3A_282 : i32
      %add3A_450 = arith.constant 384 : i32
      %add3A_451 = arith.addi %add3A_450, %mul3A_449 : i32
      %broadcast_in_dim3A_452 = vector.broadcast %add3A_451 : i32 to vector<16xi32>
      %broadcast_in_dim3A_453 = arith.constant true
      %broadcast_in_dim3A_454 = vector.broadcast %broadcast_in_dim3A_453 : i1 to vector<16xi1>
      %masked_cumsum3A = tpu.scan <sum>, %add3A_373 masked %broadcast_in_dim3A_454 : vector<16xf32>, vector<16xi1> -> vector<16xf32>
      tpu.vector_store_idx %arg8[%broadcast_in_dim3A_452], %masked_cumsum3A masked %eq3A_292 : memref<512xf32, #tpu.memory_space<vmem>>[vector<16xi32>], vector<16xf32>, vector<16xi1>
      %add3A_455 = arith.constant 1 : i32
      %add3A_456 = arith.addi %add3A_451, %add3A_455 : i32
      %broadcast_in_dim3A_457 = vector.broadcast %add3A_456 : i32 to vector<16xi32>
      %broadcast_in_dim3A_458 = arith.constant true
      %broadcast_in_dim3A_459 = vector.broadcast %broadcast_in_dim3A_458 : i1 to vector<16xi1>
      %masked_cumsum3A_460 = tpu.scan <sum>, %add3A_447 masked %broadcast_in_dim3A_459 : vector<16xf32>, vector<16xi1> -> vector<16xf32>
      tpu.vector_store_idx %arg8[%broadcast_in_dim3A_457], %masked_cumsum3A_460 masked %eq3A_292 : memref<512xf32, #tpu.memory_space<vmem>>[vector<16xi32>], vector<16xf32>, vector<16xi1>
      %scan3A_461 = arith.constant 0 : i32
      scf.yield %scan3A_461 : i32
    }
    %scan3A_59 = arith.constant 64 : i32
    %get3A = arith.constant 0 : index
    %get3A_60 = tpu.vector_load %arg8[%get3A] {strides = array<i32>} : memref<512xf32, #tpu.memory_space<vmem>>, vector<16xf32>,
    %mul3A_61 = arith.constant 5.000000e-03 : f32
    %mul3A_62 = vector.broadcast %mul3A_61 : f32 to vector<16xf32>
    %mul3A_63 = arith.mulf %get3A_60, %mul3A_62 : vector<16xf32>
    %swap3A = arith.constant 0 : index
    %swap3A_64 = tpu.vector_load %arg8[%swap3A] {strides = array<i32>} : memref<512xf32, #tpu.memory_space<vmem>>, vector<16xf32>,
    tpu.vector_store %arg8[%swap3A], %mul3A_63 {strides = array<i32>} : memref<512xf32, #tpu.memory_space<vmem>>, vector<16xf32>,
    %get3A_65 = arith.constant 16 : index
    %get3A_66 = tpu.vector_load %arg8[%get3A_65] {strides = array<i32>} : memref<512xf32, #tpu.memory_space<vmem>>, vector<16xf32>,
    %mul3A_67 = arith.constant 5.000000e-03 : f32
    %mul3A_68 = vector.broadcast %mul3A_67 : f32 to vector<16xf32>
    %mul3A_69 = arith.mulf %get3A_66, %mul3A_68 : vector<16xf32>
    %swap3A_70 = arith.constant 16 : index
    %swap3A_71 = tpu.vector_load %arg8[%swap3A_70] {strides = array<i32>} : memref<512xf32, #tpu.memory_space<vmem>>, vector<16xf32>,
    tpu.vector_store %arg8[%swap3A_70], %mul3A_69 {strides = array<i32>} : memref<512xf32, #tpu.memory_space<vmem>>, vector<16xf32>,
    %get3A_72 = arith.constant 32 : index
    %get3A_73 = tpu.vector_load %arg8[%get3A_72] {strides = array<i32>} : memref<512xf32, #tpu.memory_space<vmem>>, vector<16xf32>,
    %mul3A_74 = arith.constant 5.000000e-03 : f32
    %mul3A_75 = vector.broadcast %mul3A_74 : f32 to vector<16xf32>
    %mul3A_76 = arith.mulf %get3A_73, %mul3A_75 : vector<16xf32>
    %swap3A_77 = arith.constant 32 : index
    %swap3A_78 = tpu.vector_load %arg8[%swap3A_77] {strides = array<i32>} : memref<512xf32, #tpu.memory_space<vmem>>, vector<16xf32>,
    tpu.vector_store %arg8[%swap3A_77], %mul3A_76 {strides = array<i32>} : memref<512xf32, #tpu.memory_space<vmem>>, vector<16xf32>,
    %get3A_79 = arith.constant 48 : index
    %get3A_80 = tpu.vector_load %arg8[%get3A_79] {strides = array<i32>} : memref<512xf32, #tpu.memory_space<vmem>>, vector<16xf32>,
    %mul3A_81 = arith.constant 5.000000e-03 : f32
    %mul3A_82 = vector.broadcast %mul3A_81 : f32 to vector<16xf32>
    %mul3A_83 = arith.mulf %get3A_80, %mul3A_82 : vector<16xf32>
    %swap3A_84 = arith.constant 48 : index
    %swap3A_85 = tpu.vector_load %arg8[%swap3A_84] {strides = array<i32>} : memref<512xf32, #tpu.memory_space<vmem>>, vector<16xf32>,
    tpu.vector_store %arg8[%swap3A_84], %mul3A_83 {strides = array<i32>} : memref<512xf32, #tpu.memory_space<vmem>>, vector<16xf32>,
    %get3A_86 = arith.constant 64 : index
    %get3A_87 = tpu.vector_load %arg8[%get3A_86] {strides = array<i32>} : memref<512xf32, #tpu.memory_space<vmem>>, vector<16xf32>,
    %mul3A_88 = arith.constant 5.000000e-03 : f32
    %mul3A_89 = vector.broadcast %mul3A_88 : f32 to vector<16xf32>
    %mul3A_90 = arith.mulf %get3A_87, %mul3A_89 : vector<16xf32>
    %swap3A_91 = arith.constant 64 : index
    %swap3A_92 = tpu.vector_load %arg8[%swap3A_91] {strides = array<i32>} : memref<512xf32, #tpu.memory_space<vmem>>, vector<16xf32>,
    tpu.vector_store %arg8[%swap3A_91], %mul3A_90 {strides = array<i32>} : memref<512xf32, #tpu.memory_space<vmem>>, vector<16xf32>,
    %get3A_93 = arith.constant 80 : index
    %get3A_94 = tpu.vector_load %arg8[%get3A_93] {strides = array<i32>} : memref<512xf32, #tpu.memory_space<vmem>>, vector<16xf32>,
    %mul3A_95 = arith.constant 5.000000e-03 : f32
    %mul3A_96 = vector.broadcast %mul3A_95 : f32 to vector<16xf32>
    %mul3A_97 = arith.mulf %get3A_94, %mul3A_96 : vector<16xf32>
    %swap3A_98 = arith.constant 80 : index
    %swap3A_99 = tpu.vector_load %arg8[%swap3A_98] {strides = array<i32>} : memref<512xf32, #tpu.memory_space<vmem>>, vector<16xf32>,
    tpu.vector_store %arg8[%swap3A_98], %mul3A_97 {strides = array<i32>} : memref<512xf32, #tpu.memory_space<vmem>>, vector<16xf32>,
    %get3A_100 = arith.constant 96 : index
    %get3A_101 = tpu.vector_load %arg8[%get3A_100] {strides = array<i32>} : memref<512xf32, #tpu.memory_space<vmem>>, vector<16xf32>,
    %mul3A_102 = arith.constant 5.000000e-03 : f32
    %mul3A_103 = vector.broadcast %mul3A_102 : f32 to vector<16xf32>
    %mul3A_104 = arith.mulf %get3A_101, %mul3A_103 : vector<16xf32>
    %swap3A_105 = arith.constant 96 : index
    %swap3A_106 = tpu.vector_load %arg8[%swap3A_105] {strides = array<i32>} : memref<512xf32, #tpu.memory_space<vmem>>, vector<16xf32>,
    tpu.vector_store %arg8[%swap3A_105], %mul3A_104 {strides = array<i32>} : memref<512xf32, #tpu.memory_space<vmem>>, vector<16xf32>,
    %get3A_107 = arith.constant 112 : index
    %get3A_108 = tpu.vector_load %arg8[%get3A_107] {strides = array<i32>} : memref<512xf32, #tpu.memory_space<vmem>>, vector<16xf32>,
    %mul3A_109 = arith.constant 5.000000e-03 : f32
    %mul3A_110 = vector.broadcast %mul3A_109 : f32 to vector<16xf32>
    %mul3A_111 = arith.mulf %get3A_108, %mul3A_110 : vector<16xf32>
    %swap3A_112 = arith.constant 112 : index
    %swap3A_113 = tpu.vector_load %arg8[%swap3A_112] {strides = array<i32>} : memref<512xf32, #tpu.memory_space<vmem>>, vector<16xf32>,
    tpu.vector_store %arg8[%swap3A_112], %mul3A_111 {strides = array<i32>} : memref<512xf32, #tpu.memory_space<vmem>>, vector<16xf32>,
    %get3A_114 = arith.constant 128 : index
    %get3A_115 = tpu.vector_load %arg8[%get3A_114] {strides = array<i32>} : memref<512xf32, #tpu.memory_space<vmem>>, vector<16xf32>,
    %mul3A_116 = arith.constant 5.000000e-03 : f32
    %mul3A_117 = vector.broadcast %mul3A_116 : f32 to vector<16xf32>
    %mul3A_118 = arith.mulf %get3A_115, %mul3A_117 : vector<16xf32>
    %swap3A_119 = arith.constant 128 : index
    %swap3A_120 = tpu.vector_load %arg8[%swap3A_119] {strides = array<i32>} : memref<512xf32, #tpu.memory_space<vmem>>, vector<16xf32>,
    tpu.vector_store %arg8[%swap3A_119], %mul3A_118 {strides = array<i32>} : memref<512xf32, #tpu.memory_space<vmem>>, vector<16xf32>,
    %get3A_121 = arith.constant 144 : index
    %get3A_122 = tpu.vector_load %arg8[%get3A_121] {strides = array<i32>} : memref<512xf32, #tpu.memory_space<vmem>>, vector<16xf32>,
    %mul3A_123 = arith.constant 5.000000e-03 : f32
    %mul3A_124 = vector.broadcast %mul3A_123 : f32 to vector<16xf32>
    %mul3A_125 = arith.mulf %get3A_122, %mul3A_124 : vector<16xf32>
    %swap3A_126 = arith.constant 144 : index
    %swap3A_127 = tpu.vector_load %arg8[%swap3A_126] {strides = array<i32>} : memref<512xf32, #tpu.memory_space<vmem>>, vector<16xf32>,
    tpu.vector_store %arg8[%swap3A_126], %mul3A_125 {strides = array<i32>} : memref<512xf32, #tpu.memory_space<vmem>>, vector<16xf32>,
    %get3A_128 = arith.constant 160 : index
    %get3A_129 = tpu.vector_load %arg8[%get3A_128] {strides = array<i32>} : memref<512xf32, #tpu.memory_space<vmem>>, vector<16xf32>,
    %mul3A_130 = arith.constant 5.000000e-03 : f32
    %mul3A_131 = vector.broadcast %mul3A_130 : f32 to vector<16xf32>
    %mul3A_132 = arith.mulf %get3A_129, %mul3A_131 : vector<16xf32>
    %swap3A_133 = arith.constant 160 : index
    %swap3A_134 = tpu.vector_load %arg8[%swap3A_133] {strides = array<i32>} : memref<512xf32, #tpu.memory_space<vmem>>, vector<16xf32>,
    tpu.vector_store %arg8[%swap3A_133], %mul3A_132 {strides = array<i32>} : memref<512xf32, #tpu.memory_space<vmem>>, vector<16xf32>,
    %get3A_135 = arith.constant 176 : index
    %get3A_136 = tpu.vector_load %arg8[%get3A_135] {strides = array<i32>} : memref<512xf32, #tpu.memory_space<vmem>>, vector<16xf32>,
    %mul3A_137 = arith.constant 5.000000e-03 : f32
    %mul3A_138 = vector.broadcast %mul3A_137 : f32 to vector<16xf32>
    %mul3A_139 = arith.mulf %get3A_136, %mul3A_138 : vector<16xf32>
    %swap3A_140 = arith.constant 176 : index
    %swap3A_141 = tpu.vector_load %arg8[%swap3A_140] {strides = array<i32>} : memref<512xf32, #tpu.memory_space<vmem>>, vector<16xf32>,
    tpu.vector_store %arg8[%swap3A_140], %mul3A_139 {strides = array<i32>} : memref<512xf32, #tpu.memory_space<vmem>>, vector<16xf32>,
    %get3A_142 = arith.constant 192 : index
    %get3A_143 = tpu.vector_load %arg8[%get3A_142] {strides = array<i32>} : memref<512xf32, #tpu.memory_space<vmem>>, vector<16xf32>,
    %mul3A_144 = arith.constant 5.000000e-03 : f32
    %mul3A_145 = vector.broadcast %mul3A_144 : f32 to vector<16xf32>
    %mul3A_146 = arith.mulf %get3A_143, %mul3A_145 : vector<16xf32>
    %swap3A_147 = arith.constant 192 : index
    %swap3A_148 = tpu.vector_load %arg8[%swap3A_147] {strides = array<i32>} : memref<512xf32, #tpu.memory_space<vmem>>, vector<16xf32>,
    tpu.vector_store %arg8[%swap3A_147], %mul3A_146 {strides = array<i32>} : memref<512xf32, #tpu.memory_space<vmem>>, vector<16xf32>,
    %get3A_149 = arith.constant 208 : index
    %get3A_150 = tpu.vector_load %arg8[%get3A_149] {strides = array<i32>} : memref<512xf32, #tpu.memory_space<vmem>>, vector<16xf32>,
    %mul3A_151 = arith.constant 5.000000e-03 : f32
    %mul3A_152 = vector.broadcast %mul3A_151 : f32 to vector<16xf32>
    %mul3A_153 = arith.mulf %get3A_150, %mul3A_152 : vector<16xf32>
    %swap3A_154 = arith.constant 208 : index
    %swap3A_155 = tpu.vector_load %arg8[%swap3A_154] {strides = array<i32>} : memref<512xf32, #tpu.memory_space<vmem>>, vector<16xf32>,
    tpu.vector_store %arg8[%swap3A_154], %mul3A_153 {strides = array<i32>} : memref<512xf32, #tpu.memory_space<vmem>>, vector<16xf32>,
    %get3A_156 = arith.constant 224 : index
    %get3A_157 = tpu.vector_load %arg8[%get3A_156] {strides = array<i32>} : memref<512xf32, #tpu.memory_space<vmem>>, vector<16xf32>,
    %mul3A_158 = arith.constant 5.000000e-03 : f32
    %mul3A_159 = vector.broadcast %mul3A_158 : f32 to vector<16xf32>
    %mul3A_160 = arith.mulf %get3A_157, %mul3A_159 : vector<16xf32>
    %swap3A_161 = arith.constant 224 : index
    %swap3A_162 = tpu.vector_load %arg8[%swap3A_161] {strides = array<i32>} : memref<512xf32, #tpu.memory_space<vmem>>, vector<16xf32>,
    tpu.vector_store %arg8[%swap3A_161], %mul3A_160 {strides = array<i32>} : memref<512xf32, #tpu.memory_space<vmem>>, vector<16xf32>,
    %get3A_163 = arith.constant 240 : index
    %get3A_164 = tpu.vector_load %arg8[%get3A_163] {strides = array<i32>} : memref<512xf32, #tpu.memory_space<vmem>>, vector<16xf32>,
    %mul3A_165 = arith.constant 5.000000e-03 : f32
    %mul3A_166 = vector.broadcast %mul3A_165 : f32 to vector<16xf32>
    %mul3A_167 = arith.mulf %get3A_164, %mul3A_166 : vector<16xf32>
    %swap3A_168 = arith.constant 240 : index
    %swap3A_169 = tpu.vector_load %arg8[%swap3A_168] {strides = array<i32>} : memref<512xf32, #tpu.memory_space<vmem>>, vector<16xf32>,
    tpu.vector_store %arg8[%swap3A_168], %mul3A_167 {strides = array<i32>} : memref<512xf32, #tpu.memory_space<vmem>>, vector<16xf32>,
    %get3A_170 = arith.constant 256 : index
    %get3A_171 = tpu.vector_load %arg8[%get3A_170] {strides = array<i32>} : memref<512xf32, #tpu.memory_space<vmem>>, vector<16xf32>,
    %mul3A_172 = arith.constant 5.000000e-03 : f32
    %mul3A_173 = vector.broadcast %mul3A_172 : f32 to vector<16xf32>
    %mul3A_174 = arith.mulf %get3A_171, %mul3A_173 : vector<16xf32>
    %swap3A_175 = arith.constant 256 : index
    %swap3A_176 = tpu.vector_load %arg8[%swap3A_175] {strides = array<i32>} : memref<512xf32, #tpu.memory_space<vmem>>, vector<16xf32>,
    tpu.vector_store %arg8[%swap3A_175], %mul3A_174 {strides = array<i32>} : memref<512xf32, #tpu.memory_space<vmem>>, vector<16xf32>,
    %get3A_177 = arith.constant 272 : index
    %get3A_178 = tpu.vector_load %arg8[%get3A_177] {strides = array<i32>} : memref<512xf32, #tpu.memory_space<vmem>>, vector<16xf32>,
    %mul3A_179 = arith.constant 5.000000e-03 : f32
    %mul3A_180 = vector.broadcast %mul3A_179 : f32 to vector<16xf32>
    %mul3A_181 = arith.mulf %get3A_178, %mul3A_180 : vector<16xf32>
    %swap3A_182 = arith.constant 272 : index
    %swap3A_183 = tpu.vector_load %arg8[%swap3A_182] {strides = array<i32>} : memref<512xf32, #tpu.memory_space<vmem>>, vector<16xf32>,
    tpu.vector_store %arg8[%swap3A_182], %mul3A_181 {strides = array<i32>} : memref<512xf32, #tpu.memory_space<vmem>>, vector<16xf32>,
    %get3A_184 = arith.constant 288 : index
    %get3A_185 = tpu.vector_load %arg8[%get3A_184] {strides = array<i32>} : memref<512xf32, #tpu.memory_space<vmem>>, vector<16xf32>,
    %mul3A_186 = arith.constant 5.000000e-03 : f32
    %mul3A_187 = vector.broadcast %mul3A_186 : f32 to vector<16xf32>
    %mul3A_188 = arith.mulf %get3A_185, %mul3A_187 : vector<16xf32>
    %swap3A_189 = arith.constant 288 : index
    %swap3A_190 = tpu.vector_load %arg8[%swap3A_189] {strides = array<i32>} : memref<512xf32, #tpu.memory_space<vmem>>, vector<16xf32>,
    tpu.vector_store %arg8[%swap3A_189], %mul3A_188 {strides = array<i32>} : memref<512xf32, #tpu.memory_space<vmem>>, vector<16xf32>,
    %get3A_191 = arith.constant 304 : index
    %get3A_192 = tpu.vector_load %arg8[%get3A_191] {strides = array<i32>} : memref<512xf32, #tpu.memory_space<vmem>>, vector<16xf32>,
    %mul3A_193 = arith.constant 5.000000e-03 : f32
    %mul3A_194 = vector.broadcast %mul3A_193 : f32 to vector<16xf32>
    %mul3A_195 = arith.mulf %get3A_192, %mul3A_194 : vector<16xf32>
    %swap3A_196 = arith.constant 304 : index
    %swap3A_197 = tpu.vector_load %arg8[%swap3A_196] {strides = array<i32>} : memref<512xf32, #tpu.memory_space<vmem>>, vector<16xf32>,
    tpu.vector_store %arg8[%swap3A_196], %mul3A_195 {strides = array<i32>} : memref<512xf32, #tpu.memory_space<vmem>>, vector<16xf32>,
    %get3A_198 = arith.constant 320 : index
    %get3A_199 = tpu.vector_load %arg8[%get3A_198] {strides = array<i32>} : memref<512xf32, #tpu.memory_space<vmem>>, vector<16xf32>,
    %mul3A_200 = arith.constant 5.000000e-03 : f32
    %mul3A_201 = vector.broadcast %mul3A_200 : f32 to vector<16xf32>
    %mul3A_202 = arith.mulf %get3A_199, %mul3A_201 : vector<16xf32>
    %swap3A_203 = arith.constant 320 : index
    %swap3A_204 = tpu.vector_load %arg8[%swap3A_203] {strides = array<i32>} : memref<512xf32, #tpu.memory_space<vmem>>, vector<16xf32>,
    tpu.vector_store %arg8[%swap3A_203], %mul3A_202 {strides = array<i32>} : memref<512xf32, #tpu.memory_space<vmem>>, vector<16xf32>,
    %get3A_205 = arith.constant 336 : index
    %get3A_206 = tpu.vector_load %arg8[%get3A_205] {strides = array<i32>} : memref<512xf32, #tpu.memory_space<vmem>>, vector<16xf32>,
    %mul3A_207 = arith.constant 5.000000e-03 : f32
    %mul3A_208 = vector.broadcast %mul3A_207 : f32 to vector<16xf32>
    %mul3A_209 = arith.mulf %get3A_206, %mul3A_208 : vector<16xf32>
    %swap3A_210 = arith.constant 336 : index
    %swap3A_211 = tpu.vector_load %arg8[%swap3A_210] {strides = array<i32>} : memref<512xf32, #tpu.memory_space<vmem>>, vector<16xf32>,
    tpu.vector_store %arg8[%swap3A_210], %mul3A_209 {strides = array<i32>} : memref<512xf32, #tpu.memory_space<vmem>>, vector<16xf32>,
    %get3A_212 = arith.constant 352 : index
    %get3A_213 = tpu.vector_load %arg8[%get3A_212] {strides = array<i32>} : memref<512xf32, #tpu.memory_space<vmem>>, vector<16xf32>,
    %mul3A_214 = arith.constant 5.000000e-03 : f32
    %mul3A_215 = vector.broadcast %mul3A_214 : f32 to vector<16xf32>
    %mul3A_216 = arith.mulf %get3A_213, %mul3A_215 : vector<16xf32>
    %swap3A_217 = arith.constant 352 : index
    %swap3A_218 = tpu.vector_load %arg8[%swap3A_217] {strides = array<i32>} : memref<512xf32, #tpu.memory_space<vmem>>, vector<16xf32>,
    tpu.vector_store %arg8[%swap3A_217], %mul3A_216 {strides = array<i32>} : memref<512xf32, #tpu.memory_space<vmem>>, vector<16xf32>,
    %get3A_219 = arith.constant 368 : index
    %get3A_220 = tpu.vector_load %arg8[%get3A_219] {strides = array<i32>} : memref<512xf32, #tpu.memory_space<vmem>>, vector<16xf32>,
    %mul3A_221 = arith.constant 5.000000e-03 : f32
    %mul3A_222 = vector.broadcast %mul3A_221 : f32 to vector<16xf32>
    %mul3A_223 = arith.mulf %get3A_220, %mul3A_222 : vector<16xf32>
    %swap3A_224 = arith.constant 368 : index
    %swap3A_225 = tpu.vector_load %arg8[%swap3A_224] {strides = array<i32>} : memref<512xf32, #tpu.memory_space<vmem>>, vector<16xf32>,
    tpu.vector_store %arg8[%swap3A_224], %mul3A_223 {strides = array<i32>} : memref<512xf32, #tpu.memory_space<vmem>>, vector<16xf32>,
    %get3A_226 = arith.constant 384 : index
    %get3A_227 = tpu.vector_load %arg8[%get3A_226] {strides = array<i32>} : memref<512xf32, #tpu.memory_space<vmem>>, vector<16xf32>,
    %mul3A_228 = arith.constant 5.000000e-03 : f32
    %mul3A_229 = vector.broadcast %mul3A_228 : f32 to vector<16xf32>
    %mul3A_230 = arith.mulf %get3A_227, %mul3A_229 : vector<16xf32>
    %swap3A_231 = arith.constant 384 : index
    %swap3A_232 = tpu.vector_load %arg8[%swap3A_231] {strides = array<i32>} : memref<512xf32, #tpu.memory_space<vmem>>, vector<16xf32>,
    tpu.vector_store %arg8[%swap3A_231], %mul3A_230 {strides = array<i32>} : memref<512xf32, #tpu.memory_space<vmem>>, vector<16xf32>,
    %get3A_233 = arith.constant 400 : index
    %get3A_234 = tpu.vector_load %arg8[%get3A_233] {strides = array<i32>} : memref<512xf32, #tpu.memory_space<vmem>>, vector<16xf32>,
    %mul3A_235 = arith.constant 5.000000e-03 : f32
    %mul3A_236 = vector.broadcast %mul3A_235 : f32 to vector<16xf32>
    %mul3A_237 = arith.mulf %get3A_234, %mul3A_236 : vector<16xf32>
    %swap3A_238 = arith.constant 400 : index
    %swap3A_239 = tpu.vector_load %arg8[%swap3A_238] {strides = array<i32>} : memref<512xf32, #tpu.memory_space<vmem>>, vector<16xf32>,
    tpu.vector_store %arg8[%swap3A_238], %mul3A_237 {strides = array<i32>} : memref<512xf32, #tpu.memory_space<vmem>>, vector<16xf32>,
    %get3A_240 = arith.constant 416 : index
    %get3A_241 = tpu.vector_load %arg8[%get3A_240] {strides = array<i32>} : memref<512xf32, #tpu.memory_space<vmem>>, vector<16xf32>,
    %mul3A_242 = arith.constant 5.000000e-03 : f32
    %mul3A_243 = vector.broadcast %mul3A_242 : f32 to vector<16xf32>
    %mul3A_244 = arith.mulf %get3A_241, %mul3A_243 : vector<16xf32>
    %swap3A_245 = arith.constant 416 : index
    %swap3A_246 = tpu.vector_load %arg8[%swap3A_245] {strides = array<i32>} : memref<512xf32, #tpu.memory_space<vmem>>, vector<16xf32>,
    tpu.vector_store %arg8[%swap3A_245], %mul3A_244 {strides = array<i32>} : memref<512xf32, #tpu.memory_space<vmem>>, vector<16xf32>,
    %get3A_247 = arith.constant 432 : index
    %get3A_248 = tpu.vector_load %arg8[%get3A_247] {strides = array<i32>} : memref<512xf32, #tpu.memory_space<vmem>>, vector<16xf32>,
    %mul3A_249 = arith.constant 5.000000e-03 : f32
    %mul3A_250 = vector.broadcast %mul3A_249 : f32 to vector<16xf32>
    %mul3A_251 = arith.mulf %get3A_248, %mul3A_250 : vector<16xf32>
    %swap3A_252 = arith.constant 432 : index
    %swap3A_253 = tpu.vector_load %arg8[%swap3A_252] {strides = array<i32>} : memref<512xf32, #tpu.memory_space<vmem>>, vector<16xf32>,
    tpu.vector_store %arg8[%swap3A_252], %mul3A_251 {strides = array<i32>} : memref<512xf32, #tpu.memory_space<vmem>>, vector<16xf32>,
    %get3A_254 = arith.constant 448 : index
    %get3A_255 = tpu.vector_load %arg8[%get3A_254] {strides = array<i32>} : memref<512xf32, #tpu.memory_space<vmem>>, vector<16xf32>,
    %mul3A_256 = arith.constant 5.000000e-03 : f32
    %mul3A_257 = vector.broadcast %mul3A_256 : f32 to vector<16xf32>
    %mul3A_258 = arith.mulf %get3A_255, %mul3A_257 : vector<16xf32>
    %swap3A_259 = arith.constant 448 : index
    %swap3A_260 = tpu.vector_load %arg8[%swap3A_259] {strides = array<i32>} : memref<512xf32, #tpu.memory_space<vmem>>, vector<16xf32>,
    tpu.vector_store %arg8[%swap3A_259], %mul3A_258 {strides = array<i32>} : memref<512xf32, #tpu.memory_space<vmem>>, vector<16xf32>,
    %get3A_261 = arith.constant 464 : index
    %get3A_262 = tpu.vector_load %arg8[%get3A_261] {strides = array<i32>} : memref<512xf32, #tpu.memory_space<vmem>>, vector<16xf32>,
    %mul3A_263 = arith.constant 5.000000e-03 : f32
    %mul3A_264 = vector.broadcast %mul3A_263 : f32 to vector<16xf32>
    %mul3A_265 = arith.mulf %get3A_262, %mul3A_264 : vector<16xf32>
    %swap3A_266 = arith.constant 464 : index
    %swap3A_267 = tpu.vector_load %arg8[%swap3A_266] {strides = array<i32>} : memref<512xf32, #tpu.memory_space<vmem>>, vector<16xf32>,
    tpu.vector_store %arg8[%swap3A_266], %mul3A_265 {strides = array<i32>} : memref<512xf32, #tpu.memory_space<vmem>>, vector<16xf32>,
    %get3A_268 = arith.constant 480 : index
    %get3A_269 = tpu.vector_load %arg8[%get3A_268] {strides = array<i32>} : memref<512xf32, #tpu.memory_space<vmem>>, vector<16xf32>,
    %mul3A_270 = arith.constant 5.000000e-03 : f32
    %mul3A_271 = vector.broadcast %mul3A_270 : f32 to vector<16xf32>
    %mul3A_272 = arith.mulf %get3A_269, %mul3A_271 : vector<16xf32>
    %swap3A_273 = arith.constant 480 : index
    %swap3A_274 = tpu.vector_load %arg8[%swap3A_273] {strides = array<i32>} : memref<512xf32, #tpu.memory_space<vmem>>, vector<16xf32>,
    tpu.vector_store %arg8[%swap3A_273], %mul3A_272 {strides = array<i32>} : memref<512xf32, #tpu.memory_space<vmem>>, vector<16xf32>,
    %get3A_275 = arith.constant 496 : index
    %get3A_276 = tpu.vector_load %arg8[%get3A_275] {strides = array<i32>} : memref<512xf32, #tpu.memory_space<vmem>>, vector<16xf32>,
    %mul3A_277 = arith.constant 5.000000e-03 : f32
    %mul3A_278 = vector.broadcast %mul3A_277 : f32 to vector<16xf32>
    %mul3A_279 = arith.mulf %get3A_276, %mul3A_278 : vector<16xf32>
    %swap3A_280 = arith.constant 496 : index
    %swap3A_281 = tpu.vector_load %arg8[%swap3A_280] {strides = array<i32>} : memref<512xf32, #tpu.memory_space<vmem>>, vector<16xf32>,
    tpu.vector_store %arg8[%swap3A_280], %mul3A_279 {strides = array<i32>} : memref<512xf32, #tpu.memory_space<vmem>>, vector<16xf32>,
    "tpu.region"() ({
      %run_scoped3A = tpu.sem_alloc : memref<!tpu.dma_semaphore, #tpu.memory_space<semaphore_mem>>
      %dma_start3A_282 = tpu.memref_slice %arg4[%mul3A_2] : memref<16384xf32, #tpu.memory_space<hbm>> -> memref<512xf32, #tpu.memory_space<hbm>>
      %dma_start3A_283 = tpu.memref_slice %arg4[%mul3A_2] : memref<16384xf32, #tpu.memory_space<hbm>> -> memref<512xf32, #tpu.memory_space<hbm>>
      tpu.enqueue_dma source(%arg8 : memref<512xf32, #tpu.memory_space<vmem>>) target(%dma_start3A_283 : memref<512xf32, #tpu.memory_space<hbm>>) target_semaphore(%run_scoped3A : memref<!tpu.dma_semaphore, #tpu.memory_space<semaphore_mem>>)
      %dma_wait3A_284 = tpu.memref_slice %arg4[%mul3A_2] : memref<16384xf32, #tpu.memory_space<hbm>> -> memref<512xf32, #tpu.memory_space<hbm>>
      %dma_wait3A_285 = tpu.memref_slice %arg4[%mul3A_2] : memref<16384xf32, #tpu.memory_space<hbm>> -> memref<512xf32, #tpu.memory_space<hbm>>
      tpu.wait_dma2 semaphore(%run_scoped3A : memref<!tpu.dma_semaphore, #tpu.memory_space<semaphore_mem>>) src(%arg8 : memref<512xf32, #tpu.memory_space<vmem>>) dst(%dma_wait3A_285 : memref<512xf32, #tpu.memory_space<hbm>>)
      tpu.yield
    }) : () -> ()
    return
  }
}

</mosaic_0001>

<sc_bundles>
// kernel: kernel.3.cloned.1.call-start
scs
__scs_entry_jumppad:
0x0: {  	(pc) =	sbr.rel $0x88, $3  }
0x1: {  	(tag) =	ssettag $0x0;
	lr =	simm.s32 $0x1  }
0x2: {  	[smem:$0x3F9F] =	sst lr;
	_ =	strace $0xD0000000  }
0x3: {  	_ = 	snop  }
0x4: {  	_ = 	snop  }
0x5: {  	_ = 	snop  }
0x6: {  	_ = 	snop  }
0x7: {  	_ = 	snop  }
__scs_overlays_trampoline_lowered:
0x8: {  	[smem:$0x3FAE] =	sst s0  }
0x9: {  	[smem:$0x3FAF] =	sst s1  }
0xa: {  	[smem:$0x3FB0] =	sst s2  }
0xb: {  	[smem:$0x3FB1] =	sst s3  }
0xc: {  	[smem:$0x3FB2] =	sst s4  }
0xd: {  	[smem:$0x3FB3] =	sst s5  }
0xe: {  	[smem:$0x3FB4] =	sst s6  }
0xf: {  	[smem:$0x3FB5] =	sst s7  }
0x10: {  	[smem:$0x3FB6] =	sst s8  }
0x11: {  	[smem:$0x3FB7] =	sst s9;
	s0 =	simm.s32 @!p0 $0x0  }
0x12: {  	s1 =	sld [smem:$0x3F9D];
	s0 =	simm.s32 @p0 $0x1  }
0x13: {  	[smem:$0x3FB8] =	sst s0;
	s0 =	simm.s32 @!p1 $0x0  }
0x14: {  	s2 =	sld [smem:$0x3F9C];
	s0 =	simm.s32 @p1 $0x1  }
0x15: {  	[smem:$0x3FB9] =	sst s0;
	s0 =	simm.s32 @!p2 $0x0  }
0x16: {  	s3 =	sld [smem:$0x3FDB];
	s0 =	simm.s32 @p2 $0x1  }
0x17: {  	s4 =	simm.s32 $0x1BF5;
	[smem:$0x3FBB] =	sst s0  }
0x18: {  	s0 =	sld [smem:$0x3F9E];
	_ =	swait.ge [sflag:s4], $0x0  }
0x19: {  	s7 =	sld [smem:$0x3F9F]  }
0x1a: {  	s8 =	sadd.s32 $0xFFFFE003, lr  }
0x1b: {  	s9 =	sadd.s32 $0xFFFFFEF7, lr;
	s5 =	simm.s32 $0xFFFFFFFF;
	p2 =	slt.u32 s8, $0xFFFFF086  }
0x1c: {  	p1 =	slt.u32 s9, $0xF7A;
	s5 =	simm.s32 @!p2 $0x0  }
0x1d: {  	s5 =	simm.s32 @p1 $0x1;
	p0 =	seq.s32 s7, s2  }
0x1e: {  	s7 =	smul.u32 @!p0 $0xF7A, s2;
	p2 =	seq.s32 @!p0 s5, $0x0  }
0x1f: {  	s9 =	smul.u32 $0xF7A, s1;
	s8 =	simm.s32 @!p0 $0x1BF5;
	p2 =	por !p2, p0  }
0x20: {  	[sflag:s8] =	ssyncset.s32 @!p0 $0xFFFFF086;
	s6 =	sadd.s32 @!p0 s3, s7;
	s7 =	simm.s32 @!p0 $0x108  }
0x21: {  	s3 =	sadd.s32 s3, s9;
	s6 =	sadd.s32 @!p0 $0x88, s6;
	s7 =	simm.s32 @p2 $0x1082  }
0x22: {  	[simem:s7], [sflag:s8] =	dma.local @!p0 [hbm:s6], $0xF7A  }
0x23: {  	s9 =	sor.u32 $0xD0000000, s2;
	s6 =	simm.s32 $0x108;
	_ =	swait.ge @!p0 [sflag:s8], $0x0  }
0x24: {  	s3 =	sadd.s32 $0x88, s3;
	s6 =	simm.s32 @!p1 $0x1082;
	[sflag:s4] =	ssyncset.s32 $0xFFFFF086  }
0x25: {  	[simem:s6], [sflag:s4] =	dma.local [hbm:s3], $0xF7A  }
0x26: {  	[smem:$0x3F9F] =	sst s1;
	(tag) =	ssettag s2;
	_ =	strace s9  }
0x27: {  	s1 =	sld [smem:$0x3FAF]  }
0x28: {  	s2 =	sld [smem:$0x3FB0]  }
0x29: {  	s4 =	sld [smem:$0x3FB2]  }
0x2a: {  	p0 =	seq.s32 s5, $0x0;
	s5 =	sld [smem:$0x3FB3]  }
0x2b: {  	s6 =	sld [smem:$0x3FB4]  }
0x2c: {  	s7 =	sld [smem:$0x3FB5]  }
0x2d: {  	s3 =	simm.s32 $0x108;
	s8 =	sld [smem:$0x3FB6]  }
0x2e: {  	s3 =	simm.s32 @!p0 $0x1082;
	s9 =	sld [smem:$0x3FB7]  }
0x2f: {  	lr =	sadd.s32 s0, s3;
	s0 =	sld [smem:$0x3FAE]  }
0x30: {  	s3 =	sld [smem:$0x3FB1]  }
0x31: {  	[smem:$0x3FBA] =	sst s10  }
0x32: {  	s10 =	sld [smem:$0x3FB8];
	_ =	sdelay $0x3  }
0x33: {  	p0 =	seq.s32 s10, $0x1;
	s10 =	sld [smem:$0x3FBA];
	_ =	sdelay $0x3  }
0x34: {  	[smem:$0x3FBA] =	sst s10  }
0x35: {  	s10 =	sld [smem:$0x3FB9];
	_ =	sdelay $0x3  }
0x36: {  	p1 =	seq.s32 s10, $0x1;
	s10 =	sld [smem:$0x3FBA];
	_ =	sdelay $0x3  }
0x37: {  	[smem:$0x3FBA] =	sst s10  }
0x38: {  	s10 =	sld [smem:$0x3FBB]  }
0x39: {  	_ = 	snop;
	(pc) =	sbr.ind lr, $3  }
0x3a: {  	_ = 	snop  }
0x3b: {  	_ = 	snop  }
0x3c: {  	p2 =	seq.s32 s10, $0x1;
	s10 =	sld [smem:$0x3FBA]  }
0x3d: {  	_ =	shalt  }
0x3e: {  	_ =	shalt  }
0x3f: {  	_ =	shalt  }
0x40: {  	_ =	shalt  }
0x41: {  	_ =	shalt  }
0x42: {  	_ =	shalt  }
0x43: {  	_ =	shalt  }
0x44: {  	_ =	shalt  }
0x45: {  	_ =	shalt  }
0x46: {  	_ =	shalt  }
0x47: {  	_ =	shalt  }
0x48: {  	_ =	shalt  }
0x49: {  	_ =	shalt  }
0x4a: {  	_ =	shalt  }
0x4b: {  	_ =	shalt  }
0x4c: {  	_ =	shalt  }
0x4d: {  	_ =	shalt  }
0x4e: {  	_ =	shalt  }
0x4f: {  	_ =	shalt  }
0x50: {  	_ =	shalt  }
0x51: {  	_ =	shalt  }
0x52: {  	_ =	shalt  }
0x53: {  	_ =	shalt  }
0x54: {  	_ =	shalt  }
0x55: {  	_ =	shalt  }
0x56: {  	_ =	shalt  }
0x57: {  	_ =	shalt  }
0x58: {  	_ =	shalt  }
0x59: {  	_ =	shalt  }
0x5a: {  	_ =	shalt  }
0x5b: {  	_ =	shalt  }
0x5c: {  	_ =	shalt  }
0x5d: {  	_ =	shalt  }
0x5e: {  	_ =	shalt  }
0x5f: {  	_ =	shalt  }
0x60: {  	_ =	shalt  }
0x61: {  	_ =	shalt  }
0x62: {  	_ =	shalt  }
0x63: {  	_ =	shalt  }
0x64: {  	_ =	shalt  }
0x65: {  	_ =	shalt  }
0x66: {  	_ =	shalt  }
0x67: {  	_ =	shalt  }
0x68: {  	_ =	shalt  }
0x69: {  	_ =	shalt  }
0x6a: {  	_ =	shalt  }
0x6b: {  	_ =	shalt  }
0x6c: {  	_ =	shalt  }
0x6d: {  	_ =	shalt  }
0x6e: {  	_ =	shalt  }
0x6f: {  	_ =	shalt  }
0x70: {  	_ =	shalt  }
0x71: {  	_ =	shalt  }
0x72: {  	_ =	shalt  }
0x73: {  	_ =	shalt  }
0x74: {  	_ =	shalt  }
0x75: {  	_ =	shalt  }
0x76: {  	_ =	shalt  }
0x77: {  	_ =	shalt  }
0x78: {  	_ =	shalt  }
0x79: {  	_ =	shalt  }
0x7a: {  	_ =	shalt  }
0x7b: {  	_ =	shalt  }
0x7c: {  	_ =	shalt  }
0x7d: {  	_ =	shalt  }
0x7e: {  	_ =	shalt  }
0x7f: {  	_ =	shalt  }
0x80: {  	_ =	shalt  }
0x81: {  	_ =	shalt  }
0x82: {  	_ =	shalt  }
0x83: {  	_ =	shalt  }
0x84: {  	_ =	shalt  }
0x85: {  	_ =	shalt  }
0x86: {  	_ =	shalt  }
0x87: {  	_ =	shalt  }
.Lfunc_end0:
.L_simem_size_0:
called_computation_lowered:
.L_overlay_start_0:
0x88: {  	s2 =	sld [smem:$0x3FD9]  }
0x89: {  	s3 =	sld [smem:$0x3FFE];
	_ =	sdelay $0x1  }
0x8a: {  	s1 =	srdreg.scid  }
0x8b: {  	s0 =	sand.u32 $0x1, s1  }
0x8c: {  	s17 =	sshll.u32 s0, $0xA;
	s2 =	sadd.s32 s3, s2  }
0x8d: {  	s2 =	sadd.s32 s2, s17  }
0x8e: {  	[smem:$0x3FC6] =	sst s2  }
0x8f: {  	_ = 	snop  }
0x90: {  	s2 =	sld [smem:$0x3FD0];
	(tm) =	ssettm $0x1  }
0x91: {  	s18 =	sld [smem:$0x3FFB];
	_ =	sdelay $0x3  }
0x92: {  	_ =	strace s18  }
0x93: {  	s3 =	sld [smem:$0x3FFC];
	_ =	sdelay $0x3  }
0x94: {  	_ =	strace s3  }
0x95: {  	s3 =	sld [smem:$0x3FFD];
	_ =	sdelay $0x3  }
0x96: {  	_ =	strace s3  }
0x97: {  	_ =	strace $0x8FFFFFFF  }
0x98: {  	s19 =	sld [smem:$0x3FDB];
	_ =	sdelay $0x1  }
0x99: {  	s4 =	simm.s32 $_scs_section_size  }
0x9a: {  	s5 =	simm.s32 $_size__tile_overlayer_lowered;
	s6 =	simm.s32 $_tile_overlayer_lowered  }
0x9b: {  	s22 =	simm.s32 $0x1BFF;
	s21 =	sshll.u32 s6, $0x1;
	s3 =	sadd.s32 s4, s19  }
0x9c: {  	s7 =	simm.s32 $0x0;
	s20 =	sshll.u32 s5, $0x1;
	s5 =	sadd.s32 s21, s3  }
0x9d: {  	[timem:s7], [sflag:s22] =	dma.local [hbm:s5], s20  }
0x9e: {  	_ =	swait.ge [sflag:s22], s20  }
0x9f: {  	s4 =	ssub.s32 $0x0, s20;
	[sflag:s22] =	ssyncset.done $0x0  }
0xa0: {  	[sflag:s22] =	ssyncadd.s32 s4;
	_ =	sdelay $0x1  }
0xa1: {  	s23 =	simm.s32 $0x1B8B  }
0xa2: {  	_ =	swait.ge [sflag:s23], $0x1  }
0xa3: {  	[sflag:s23] =	ssyncset.done $0x0  }
0xa4: {  	s25 =	simm.s32 $0x1B8E;
	s24 =	sld [smem:$0x3FFE];
	[sflag:s23] =	ssyncadd.s32 $0xFFFFFFFF  }
0xa5: {  	s26 =	simm.s32 $execute0_lowered;
	[smem:$0x3FD2] =	sst s25  }
0xa6: {  	s5 =	sshll.u32 s26, $0x1;
	_ =	strace $0x80000046;
	[dreg:$0x1] =	wrdreg $0xFFFFFFFF  }
0xa7: {  	s28 =	simm.s32 $_size_execute0_lowered;
	s3 =	sadd.s32 s3, s5;
	[dreg:$0x0] =	wrdreg $0x0  }
0xa8: {  	s5 =	sshll.u32 s28, $0x1;
	[dreg:$0x2] =	wrdreg s3  }
0xa9: {  	[dreg:$0x3] =	wrdreg s5  }
0xaa: {  	[dreg:$0x4] =	wrdreg $0xC0  }
0xab: {  	_ =	task [dreg:s7], $0x5FFFF  }
0xac: {  	[dreg:$0x1] =	wrdreg $0xFFFFFFFF  }
0xad: {  	[dreg:$0x0] =	wrdreg $0x60  }
0xae: {  	[dreg:$0x2] =	wrdreg s24  }
0xaf: {  	[dreg:$0x3] =	wrdreg s2  }
0xb0: {  	[dreg:$0x4] =	wrdreg $0x9  }
0xb1: {  	_ =	task.clear_ibuf [dreg:s7], $0x5FFFF;
	_ =	strace $0x90000046  }
0xb2: {  	s29 =	simm.s32 $0x9;
	_ =	strace $0x80000048  }
0xb3: {  	_ =	swait.ge [sflag:s29], $0x1  }
0xb4: {  	[sflag:s29] =	ssyncadd.s32 $0xFFFFFFFF  }
0xb5: {  	_ =	strace $0x90000048  }
0xb6: {  	_ =	sfence  }
0xb7: {  	s30 =	sld [smem:$0x0];
	_ =	sdelay $0x2  }
0xb8: {  	s31 =	sshll.u32 s1, $0xD;
	s1 =	sshrl.u32 s1, $0x2  }
0xb9: {  	s3 =	sand.u32 $0x4000, s31;
	s1 =	sadd.s32 s1, s30  }
0xba: {  	s0 =	sor.u32 s3, s0;
	s1 =	sshll.u32 s1, $0x11  }
0xbb: {  	s0 =	sor.u32 s1, s0  }
0xbc: {  	s0 =	sadd.s32 $0x8F2B, s0  }
0xbd: {  	[sflag:s0] =	ssyncadd.remote.s32 $0x1  }
0xbe: {  	_ =	sfence.sel $0xFFFF  }
0xbf: {  	[dreg:$0x0] =	wrdreg $0xFFFFFFFF;
	(pc) =	sbr.abs _section_cstart, $3  }
0xc0: {  	[dreg:$0x1] =	wrdreg $0xFFFFFFFF  }
0xc1: {  	_ =	task.clear_ibuf [dreg:s7], $0x2FFFF;
	_ =	strace $0x9FFFFFFF  }
0xc2: {  	(tm) =	ssettm $0x7FFFFFFF  }
0xc3: {  	_ =	shalt  }
tec
execute0_lowered:
.L_overlay_start_1:
0x0: {  	(tag) =	ssettag $0x1  }
0x1: {  	s3 =	rddreg [dreg:$0x0];
	s1 =	srdreg.scid  }
0x2: {  	s0 =	stileid.u32;
	s8 =	rddreg [dreg:$0x1]  }
0x3: {  	s2 =	simm.s32 $0x0;
	s12 =	simm.s32 $0x6400;
	s13 =	simm.s32 $0xD800  }
0x4: {  	s14 =	simm.s32 $0x2;
	s15 =	simm.s32 $0x1;
	s16 =	simm.s32 $0x0  }
0x5: {  	s4 =	sand.u32 $0x1, s1;
	s5 =	sshll.u32 s0, $0x1;
	s1 =	rddreg [dreg:$0x2]  }
0x6: {  	[smem:$0x7FF] =	sst s2;
	s6 =	sadd.s32 $0x600, s3;
	s9 =	sor.u32 s4, s5  }
0x7: {  	s3 =	sadd.s32 $0x64600, s3;
	s4 =	ssub.s32 $0x2, s4;
	s5 =	smul.u32 $0x19000, s9  }
0x8: {  	_ =	strace $0x80000047;
	s7 =	smul.u32 $0x3200, s9;
	s10 =	sshrl.u32 s4, $0x1  }
0x9: {  	s9 =	sshll.u32 s9, $0x6;
	s10 =	ssub.s32 s4, s10;
	s5 =	sshrl.u32 s5, $0x3  }
0xa: {  	v0 =	vlaneseq.u32;
	s8 =	sadd.s32 s8, s9;
	s4 =	sadd.s32 s6, s7;
	s11 =	sadd.s32 s6, s5  }
0xb: {  	vm0 =	vcmask $0x1F00;
	v1 =	vimm.f32 $0.0e+00;
	v2 =	vimm.f32 $1.000000000e+00;
	s9 =	smax.u32 s10, $0x1;
	s10 =	simm.s32 $0xC800;
	s5 =	sadd.s32 $0xC80, s11  }
0xc: {  	v1 =	vsel vm0, $0x3F800000, v1;
	v2 =	vsel vm0, $0x0, v2;
	vm0 =	vcmask $0x3F3C;
	s6 =	sadd.s32 $0x1900, s11;
	s7 =	sadd.s32 $0x2580, s11;
	s11 =	simm.s32 $0x3  }
.LBB2_1:
0xd: {  	[tilespmem:s10], [sflag:$0x3] =	stream.linear.gather [hbm4b:s3+s2], $0x1000, $0x38;
	[tilespmem:$0xDA00] =	vst v63  }
0xe: {  	_ =	swait.ge [sflag:s11], $0x1000  }
0xf: {  	[sflag:s11] =	ssyncset.done $0x0  }
0x10: {  	[sflag:s11] =	ssyncadd.s32 $0xFFFFF000  }
0x11: {  	[tilespmem:s2], [sflag:$0x1] =	stream.linear.gather [hbm4b:s4+s2], $0x6400, $0x38;
	[tilespmem:$0xDA00] =	vst v63  }
0x12: {  	_ =	swait.ge [sflag:s15], $0x6400  }
0x13: {  	[sflag:s15] =	ssyncset.done $0x0  }
0x14: {  	s21 =	sand.u32 $0x7FF0, s2;
	[sflag:s15] =	ssyncadd.s32 $0xFFFF9C00  }
0x15: {  	[tilespmem:s12], [sflag:$0x2] =	stream.linear.gather [hbm4b:s5+s2], $0x6400, $0x38;
	[tilespmem:$0xDA00] =	vst v63  }
0x16: {  	s18 =	simm.s32 $0xC0;
	v3 =	vld [tilespmem:s21+$0x180]  }
0x17: {  	v5 =	vld [tilespmem:s18+$0xFFFFFFF0]  }
0x18: {  	v4 =	vld [tilespmem:s18+$0xB0]  }
0x19: {  	v7 =	vld [tilespmem:s18+$0xFFFFFFE0]  }
0x1a: {  	v6 =	vld [tilespmem:s18+$0xA0]  }
0x1b: {  	v9 =	vld [tilespmem:s18+$0xFFFFFFD0]  }
0x1c: {  	v8 =	vld [tilespmem:s18+$0x90]  }
0x1d: {  	v11 =	vld [tilespmem:s21+$0x80]  }
0x1e: {  	v10 =	vld [tilespmem:s18+$0x80]  }
0x1f: {  	v13 =	vld [tilespmem:s18+$0xFFFFFFB0]  }
0x20: {  	v12 =	vld [tilespmem:s18+$0x70]  }
0x21: {  	v14 =	vld [tilespmem:s18+$0xFFFFFFA0]  }
0x22: {  	v15 =	vld [tilespmem:s18+$0xFFFFFF90]  }
0x23: {  	v17 =	vld [tilespmem:s18+$0xFFFFFF40]  }
0x24: {  	s19 =	simm.s32 $0x3;
	s17 =	simm.s32 $0x1;
	s20 =	simm.s32 $0x0;
	v16 =	vld [tilespmem:s18+$0x0]  }
.LBB2_2:
0x25: {  	p0 =	sne.s32 s19, $0x7F;
	v18 =	vld [tilespmem:s18+$0xFFFFFF50]  }
0x26: {  	v19 =	vld [tilespmem:s18+$0x50]  }
0x27: {  	v20 =	vld [tilespmem:s18+$0xFFFFFF60]  }
0x28: {  	v17 =	vshll.u32 v17, $0x7;
	v21 =	vld [tilespmem:s18+$0x10]  }
0x29: {  	v17 =	vor.u32 v0, v17;
	v22 =	vld [tilespmem:s18+$0xFFFFFF70];
	v16 =	vshll.u32 v16, $0x7  }
0x2a: {  	v18 =	vshll.u32 v18, $0x7;
	v16 =	vor.u32 v0, v16;
	v23 =	vld [tilespmem:s18+$0x20]  }
0x2b: {  	v18 =	vor.u32 v0, v18;
	v24 =	vld [tilespmem:s18+$0xFFFFFF80]  }
0x2c: {  	v20 =	vshll.u32 v20, $0x7;
	v25 =	vld [tilespmem:s18+$0x30]  }
0x2d: {  	v20 =	vor.u32 v0, v20;
	v21 =	vshll.u32 v21, $0x7;
	v26 =	vld [tilespmem:s21+$0x100]  }
0x2e: {  	v17 =	vld.idx.msk [tilespmem:v17+s10+$0x0], $0xffff;
	v22 =	vshll.u32 v22, $0x7;
	v21 =	vor.u32 v0, v21  }
0x2f: {  	v22 =	vor.u32 v0, v22;
	v16 =	vld.idx.msk [tilespmem:v16+s10+$0x0], $0xffff;
	v23 =	vshll.u32 v23, $0x7  }
0x30: {  	v18 =	vld.idx.msk [tilespmem:v18+s10+$0x0], $0xffff;
	v24 =	vshll.u32 v24, $0x7;
	v23 =	vor.u32 v0, v23  }
0x31: {  	v24 =	vor.u32 v0, v24;
	v25 =	vshll.u32 v25, $0x7;
	v27 =	vld [tilespmem:s18+$0x60]  }
0x32: {  	v15 =	vshll.u32 v15, $0x7;
	v20 =	vld.idx.msk [tilespmem:v20+s10+$0x0], $0xffff;
	v25 =	vor.u32 v0, v25  }
0x33: {  	v15 =	vor.u32 v0, v15;
	v26 =	vshll.u32 v26, $0x7;
	v21 =	vld.idx.msk [tilespmem:v21+s10+$0x0], $0xffff  }
0x34: {  	v14 =	vshll.u32 v14, $0x7;
	v17 =	vadd.f32 $0.0e+00, v17;
	v26 =	vor.u32 v0, v26;
	v22 =	vld.idx.msk [tilespmem:v22+s10+$0x0], $0xffff  }
0x35: {  	v14 =	vor.u32 v0, v14;
	v19 =	vshll.u32 v19, $0x7;
	v28 =	vmul.f32 v2, v16;
	v23 =	vld.idx.msk [tilespmem:v23+s10+$0x0], $0xffff  }
0x36: {  	v13 =	vshll.u32 v13, $0x7;
	v19 =	vor.u32 v0, v19;
	v17 =	vadd.f32 v18, v17;
	v18 =	vld.idx.msk [tilespmem:v24+s10+$0x0], $0xffff  }
0x37: {  	v13 =	vor.u32 v0, v13;
	v24 =	vadd.f32 $0.0e+00, v28;
	v27 =	vshll.u32 v27, $0x7;
	v25 =	vld.idx.msk [tilespmem:v25+s10+$0x0], $0xffff  }
0x38: {  	v11 =	vshll.u32 v11, $0x7;
	v17 =	vadd.f32 v20, v17;
	v20 =	vor.u32 v0, v27;
	v15 =	vld.idx.msk [tilespmem:v15+s10+$0x0], $0xffff  }
0x39: {  	v12 =	vshll.u32 v12, $0x7;
	v11 =	vor.u32 v0, v11;
	v21 =	vadd.f32 v21, v24;
	v24 =	vld.idx.msk [tilespmem:v26+s10+$0x0], $0xffff  }
0x3a: {  	v9 =	vshll.u32 v9, $0x7;
	v12 =	vor.u32 v0, v12;
	v17 =	vadd.f32 v22, v17;
	v14 =	vld.idx.msk [tilespmem:v14+s10+$0x0], $0xffff  }
0x3b: {  	v10 =	vshll.u32 v10, $0x7;
	v9 =	vor.u32 v0, v9;
	v21 =	vadd.f32 v23, v21;
	v19 =	vld.idx.msk [tilespmem:v19+s10+$0x0], $0xffff  }
0x3c: {  	v7 =	vshll.u32 v7, $0x7;
	v10 =	vor.u32 v0, v10;
	v17 =	vadd.f32 v18, v17;
	v13 =	vld.idx.msk [tilespmem:v13+s10+$0x0], $0xffff  }
0x3d: {  	v8 =	vshll.u32 v8, $0x7;
	v7 =	vor.u32 v0, v7;
	v18 =	vadd.f32 v25, v21;
	v20 =	vld.idx.msk [tilespmem:v20+s10+$0x0], $0xffff  }
0x3e: {  	v5 =	vshll.u32 v5, $0x7;
	v8 =	vor.u32 v0, v8;
	v15 =	vadd.f32 v15, v17;
	v11 =	vld.idx.msk [tilespmem:v11+s10+$0x0], $0xffff  }
0x3f: {  	v6 =	vshll.u32 v6, $0x7;
	v5 =	vor.u32 v0, v5;
	v17 =	vadd.f32 v24, v18;
	v12 =	vld.idx.msk [tilespmem:v12+s10+$0x0], $0xffff  }
0x40: {  	v6 =	vor.u32 v0, v6;
	v14 =	vadd.f32 v14, v15;
	v9 =	vld.idx.msk [tilespmem:v9+s10+$0x0], $0xffff  }
0x41: {  	v4 =	vshll.u32 v4, $0x7;
	v15 =	vadd.f32 v19, v17;
	v10 =	vld.idx.msk [tilespmem:v10+s10+$0x0], $0xffff  }
0x42: {  	v4 =	vor.u32 v0, v4;
	v13 =	vadd.f32 v13, v14;
	v7 =	vld.idx.msk [tilespmem:v7+s10+$0x0], $0xffff  }
0x43: {  	v3 =	vshll.u32 v3, $0x7;
	v14 =	vadd.f32 v20, v15;
	v8 =	vld.idx.msk [tilespmem:v8+s10+$0x0], $0xffff  }
0x44: {  	v3 =	vor.u32 v0, v3;
	v11 =	vadd.f32 v11, v13;
	v5 =	vld.idx.msk [tilespmem:v5+s10+$0x0], $0xffff  }
0x45: {  	v12 =	vadd.f32 v12, v14;
	v6 =	vld.idx.msk [tilespmem:v6+s10+$0x0], $0xffff  }
0x46: {  	v9 =	vadd.f32 v9, v11  }
0x47: {  	v10 =	vadd.f32 v10, v12;
	v4 =	vld.idx.msk [tilespmem:v4+s10+$0x0], $0xffff  }
0x48: {  	v7 =	vadd.f32 v7, v9  }
0x49: {  	v8 =	vadd.f32 v8, v10;
	v3 =	vld.idx.msk [tilespmem:v3+s10+$0x0], $0xffff  }
0x4a: {  	v5 =	vadd.f32 v5, v7;
	v7 =	vmul.f32 v1, v16  }
0x4b: {  	v6 =	vadd.f32 v6, v8  }
0x4c: {  	v5 =	vadd.f32 v7, v5  }
0x4d: {  	v4 =	vadd.f32 v4, v6  }
0x4e: {  	(xrf2) =	vadd.scan.msk.f32 $0xffff, v5  }
0x4f: {  	v3 =	vadd.f32 v3, v4;
	_ =	sdelay $0x1  }
0x50: {  	(xrf2) =	vadd.scan.msk.f32 $0xffff, v3  }
0x51: {  	s21 =	sadd.s32 $0xFFFFFFFF, s17  }
0x52: {  	v3 =	vmov s21  }
0x53: {  	v3 =	vand.u32 $0xFFFFFFFE, v3  }
0x54: {  	v3 =	vbroadcast v3, $0x0;
	_ =	sdelay $0x1  }
0x55: {  	v4 =	vmov s17;
	s17 =	smov.u32 s19  }
0x56: {  	v5, _, _ =	vpop (xrf2);
	_ =	sdelay $0x2  }
0x57: {  	s20 =	sadd.s32 $0x190, s20;
	[tilespmem:v3+s13+$0x0] =	vst.idx.msk vm0, v5;
	v3, _, _ =	vpop (xrf2)  }
0x58: {  	s21 =	sand.u32 $0x7FF0, s20;
	[tilespmem:v4+s13+$0x0] =	vst.idx.msk vm0, v3  }
0x59: {  	s18 =	sadd.s32 $0x190, s18;
	v3 =	vld [tilespmem:s21+$0x180]  }
0x5a: {  	v5 =	vld [tilespmem:s18+$0xFFFFFFF0]  }
0x5b: {  	v4 =	vld [tilespmem:s18+$0xB0]  }
0x5c: {  	v7 =	vld [tilespmem:s18+$0xFFFFFFE0]  }
0x5d: {  	v6 =	vld [tilespmem:s18+$0xA0]  }
0x5e: {  	v9 =	vld [tilespmem:s18+$0xFFFFFFD0]  }
0x5f: {  	v8 =	vld [tilespmem:s18+$0x90]  }
0x60: {  	v11 =	vld [tilespmem:s21+$0x80]  }
0x61: {  	v10 =	vld [tilespmem:s18+$0x80]  }
0x62: {  	v13 =	vld [tilespmem:s18+$0xFFFFFFB0]  }
.Ltmp0:
0x63: {  	v12 =	vld [tilespmem:s18+$0x70];
	(pc) =	sbr.rel @p0 .LBB2_2-.Ltmp0, $4  }
0x64: {  	v14 =	vld [tilespmem:s18+$0xFFFFFFA0]  }
0x65: {  	v15 =	vld [tilespmem:s18+$0xFFFFFF90]  }
0x66: {  	v17 =	vld [tilespmem:s18+$0xFFFFFF40]  }
0x67: {  	s19 =	sadd.s32 $0x2, s19;
	v16 =	vld [tilespmem:s18+$0x0]  }
0x68: {  	_ = 	snop  }
0x69: {  	v18 =	vld [tilespmem:s18+$0xFFFFFF50]  }
0x6a: {  	v19 =	vld [tilespmem:s18+$0x50]  }
0x6b: {  	v20 =	vld [tilespmem:s18+$0x10]  }
0x6c: {  	v21 =	vld [tilespmem:s18+$0xFFFFFF60];
	v16 =	vshll.u32 v16, $0x7  }
0x6d: {  	v22 =	vld [tilespmem:s18+$0x20];
	v17 =	vshll.u32 v17, $0x7;
	v16 =	vor.u32 v0, v16  }
0x6e: {  	v23 =	vld [tilespmem:s18+$0xFFFFFF70];
	v17 =	vor.u32 v0, v17  }
0x6f: {  	v24 =	vld [tilespmem:s18+$0x30];
	v18 =	vshll.u32 v18, $0x7  }
0x70: {  	v25 =	vld [tilespmem:s18+$0xFFFFFF80];
	v20 =	vshll.u32 v20, $0x7;
	v18 =	vor.u32 v0, v18  }
0x71: {  	v26 =	vld [tilespmem:s21+$0x100];
	v21 =	vshll.u32 v21, $0x7;
	v20 =	vor.u32 v0, v20  }
0x72: {  	v22 =	vshll.u32 v22, $0x7;
	v21 =	vor.u32 v0, v21;
	v16 =	vld.idx.msk [tilespmem:v16+s10+$0x0], $0xffff  }
0x73: {  	v23 =	vshll.u32 v23, $0x7;
	v22 =	vor.u32 v0, v22;
	v17 =	vld.idx.msk [tilespmem:v17+s10+$0x0], $0xffff  }
0x74: {  	v27 =	vld [tilespmem:s18+$0x60];
	v24 =	vshll.u32 v24, $0x7;
	v23 =	vor.u32 v0, v23  }
0x75: {  	v25 =	vshll.u32 v25, $0x7;
	v24 =	vor.u32 v0, v24;
	v18 =	vld.idx.msk [tilespmem:v18+s10+$0x0], $0xffff  }
0x76: {  	v26 =	vshll.u32 v26, $0x7;
	v25 =	vor.u32 v0, v25;
	v20 =	vld.idx.msk [tilespmem:v20+s10+$0x0], $0xffff  }
0x77: {  	v15 =	vshll.u32 v15, $0x7;
	v26 =	vor.u32 v0, v26;
	v21 =	vld.idx.msk [tilespmem:v21+s10+$0x0], $0xffff;
	v28 =	vmul.f32 v2, v16  }
0x78: {  	v15 =	vor.u32 v0, v15;
	v19 =	vshll.u32 v19, $0x7;
	v22 =	vld.idx.msk [tilespmem:v22+s10+$0x0], $0xffff;
	v17 =	vadd.f32 $0.0e+00, v17  }
0x79: {  	v14 =	vshll.u32 v14, $0x7;
	v19 =	vor.u32 v0, v19;
	v23 =	vld.idx.msk [tilespmem:v23+s10+$0x0], $0xffff;
	v28 =	vadd.f32 $0.0e+00, v28  }
0x7a: {  	v14 =	vor.u32 v0, v14;
	v61 =	vshll.u32 v27, $0x7;
	v17 =	vadd.f32 v18, v17;
	v18 =	vld.idx.msk [tilespmem:v24+s10+$0x0], $0xffff  }
0x7b: {  	v13 =	vshll.u32 v13, $0x7;
	v25 =	vld.idx.msk [tilespmem:v25+s10+$0x0], $0xffff;
	v24 =	vor.u32 v0, v61;
	v20 =	vadd.f32 v20, v28  }
0x7c: {  	v12 =	vshll.u32 v12, $0x7;
	v13 =	vor.u32 v0, v13;
	v62 =	vld.idx.msk [tilespmem:v26+s10+$0x0], $0xffff;
	v17 =	vadd.f32 v21, v17  }
0x7d: {  	v11 =	vshll.u32 v11, $0x7;
	v12 =	vor.u32 v0, v12;
	v15 =	vld.idx.msk [tilespmem:v15+s10+$0x0], $0xffff;
	v20 =	vadd.f32 v22, v20  }
0x7e: {  	v10 =	vshll.u32 v10, $0x7;
	v11 =	vor.u32 v0, v11;
	v19 =	vld.idx.msk [tilespmem:v19+s10+$0x0], $0xffff;
	v17 =	vadd.f32 v23, v17  }
0x7f: {  	v9 =	vshll.u32 v9, $0x7;
	v10 =	vor.u32 v0, v10;
	v14 =	vld.idx.msk [tilespmem:v14+s10+$0x0], $0xffff;
	v18 =	vadd.f32 v18, v20  }
0x80: {  	v8 =	vshll.u32 v8, $0x7;
	v9 =	vor.u32 v0, v9;
	v63 =	vld.idx.msk [tilespmem:v24+s10+$0x0], $0xffff;
	v17 =	vadd.f32 v25, v17  }
0x81: {  	v7 =	vshll.u32 v7, $0x7;
	v8 =	vor.u32 v0, v8;
	v13 =	vld.idx.msk [tilespmem:v13+s10+$0x0], $0xffff;
	v18 =	vadd.f32 v62, v18  }
0x82: {  	v6 =	vshll.u32 v6, $0x7;
	v7 =	vor.u32 v0, v7;
	v12 =	vld.idx.msk [tilespmem:v12+s10+$0x0], $0xffff;
	v15 =	vadd.f32 v15, v17  }
0x83: {  	v5 =	vshll.u32 v5, $0x7;
	v6 =	vor.u32 v0, v6;
	v11 =	vld.idx.msk [tilespmem:v11+s10+$0x0], $0xffff;
	v17 =	vadd.f32 v19, v18  }
0x84: {  	v4 =	vshll.u32 v4, $0x7;
	v5 =	vor.u32 v0, v5;
	v10 =	vld.idx.msk [tilespmem:v10+s10+$0x0], $0xffff;
	v14 =	vadd.f32 v14, v15  }
0x85: {  	v4 =	vor.u32 v0, v4;
	v9 =	vld.idx.msk [tilespmem:v9+s10+$0x0], $0xffff;
	v15 =	vadd.f32 v63, v17  }
0x86: {  	v3 =	vshll.u32 v3, $0x7;
	v8 =	vld.idx.msk [tilespmem:v8+s10+$0x0], $0xffff;
	v13 =	vadd.f32 v13, v14  }
0x87: {  	v3 =	vor.u32 v0, v3;
	v7 =	vld.idx.msk [tilespmem:v7+s10+$0x0], $0xffff;
	v12 =	vadd.f32 v12, v15  }
0x88: {  	v6 =	vld.idx.msk [tilespmem:v6+s10+$0x0], $0xffff;
	v11 =	vadd.f32 v11, v13  }
0x89: {  	v5 =	vld.idx.msk [tilespmem:v5+s10+$0x0], $0xffff;
	v10 =	vadd.f32 v10, v12  }
0x8a: {  	v4 =	vld.idx.msk [tilespmem:v4+s10+$0x0], $0xffff;
	v9 =	vadd.f32 v9, v11  }
0x8b: {  	v8 =	vadd.f32 v8, v10  }
0x8c: {  	v3 =	vld.idx.msk [tilespmem:v3+s10+$0x0], $0xffff;
	v7 =	vadd.f32 v7, v9  }
0x8d: {  	v6 =	vadd.f32 v6, v8  }
0x8e: {  	v5 =	vadd.f32 v5, v7;
	v7 =	vmul.f32 v1, v16  }
0x8f: {  	v4 =	vadd.f32 v4, v6  }
0x90: {  	v5 =	vadd.f32 v7, v5  }
0x91: {  	v3 =	vadd.f32 v3, v4  }
0x92: {  	(xrf2) =	vadd.scan.msk.f32 $0xffff, v5  }
0x93: {  	(xrf2) =	vadd.scan.msk.f32 $0xffff, v3  }
0x94: {  	s31 =	sadd.s32 $0xFFFFFFFF, s17  }
0x95: {  	v3 =	vmov s31  }
0x96: {  	v3 =	vand.u32 $0xFFFFFFFE, v3  }
0x97: {  	v3 =	vbroadcast v3, $0x0;
	_ =	sdelay $0x1  }
0x98: {  	v4 =	vmov s17;
	_ =	sdelay $0x2  }
0x99: {  	v5, _, _ =	vpop (xrf2)  }
0x9a: {  	[tilespmem:v3+s13+$0x0] =	vst.idx.msk vm0, v5;
	v3, _, _ =	vpop (xrf2)  }
0x9b: {  	[tilespmem:v4+s13+$0x0] =	vst.idx.msk vm0, v3  }
0x9c: {  	_ =	swait.ge [sflag:s14], $0x6400  }
0x9d: {  	s19 =	simm.s32 $0x0;
	[sflag:s14] =	ssyncset.done $0x0  }
0x9e: {  	s21 =	sand.u32 $0x7FF0, s19;
	[sflag:s14] =	ssyncadd.s32 $0xFFFF9C00  }
0x9f: {  	[tilespmem:s19], [sflag:$0x1] =	stream.linear.gather [hbm4b:s6+s19], $0x6400, $0x38;
	[tilespmem:$0xDA00] =	vst v63  }
0xa0: {  	s18 =	simm.s32 $0x64C0;
	v3 =	vld [tilespmem:s21+$0x6580]  }
0xa1: {  	v5 =	vld [tilespmem:s18+$0xFFFFFFF0]  }
0xa2: {  	v4 =	vld [tilespmem:s18+$0xB0]  }
0xa3: {  	v7 =	vld [tilespmem:s18+$0xFFFFFFE0]  }
0xa4: {  	v6 =	vld [tilespmem:s18+$0xA0]  }
0xa5: {  	v9 =	vld [tilespmem:s18+$0xFFFFFFD0]  }
0xa6: {  	v8 =	vld [tilespmem:s18+$0x90]  }
0xa7: {  	v11 =	vld [tilespmem:s21+$0x6480]  }
0xa8: {  	v10 =	vld [tilespmem:s18+$0x80]  }
0xa9: {  	v13 =	vld [tilespmem:s18+$0xFFFFFFB0]  }
0xaa: {  	v12 =	vld [tilespmem:s18+$0x70]  }
0xab: {  	v14 =	vld [tilespmem:s18+$0xFFFFFFA0]  }
0xac: {  	v15 =	vld [tilespmem:s18+$0xFFFFFF90]  }
0xad: {  	v16 =	vld [tilespmem:s18+$0xFFFFFF40]  }
0xae: {  	s20 =	simm.s32 $0x83;
	s17 =	simm.s32 $0x81;
	v17 =	vld [tilespmem:s18+$0x0]  }
.LBB2_4:
0xaf: {  	p0 =	sne.s32 s20, $0xFF;
	v18 =	vld [tilespmem:s18+$0xFFFFFF50]  }
0xb0: {  	v19 =	vld [tilespmem:s18+$0x50]  }
0xb1: {  	v20 =	vld [tilespmem:s18+$0xFFFFFF60]  }
0xb2: {  	v16 =	vshll.u32 v16, $0x7;
	v21 =	vld [tilespmem:s18+$0x10]  }
0xb3: {  	v16 =	vor.u32 v0, v16;
	v22 =	vld [tilespmem:s18+$0xFFFFFF70];
	v17 =	vshll.u32 v17, $0x7  }
0xb4: {  	v18 =	vshll.u32 v18, $0x7;
	v17 =	vor.u32 v0, v17;
	v23 =	vld [tilespmem:s18+$0x20]  }
0xb5: {  	v18 =	vor.u32 v0, v18;
	v24 =	vld [tilespmem:s18+$0xFFFFFF80]  }
0xb6: {  	v20 =	vshll.u32 v20, $0x7;
	v25 =	vld [tilespmem:s18+$0x30]  }
0xb7: {  	v20 =	vor.u32 v0, v20;
	v21 =	vshll.u32 v21, $0x7;
	v26 =	vld [tilespmem:s21+$0x6500]  }
0xb8: {  	v16 =	vld.idx.msk [tilespmem:v16+s10+$0x0], $0xffff;
	v22 =	vshll.u32 v22, $0x7;
	v21 =	vor.u32 v0, v21  }
0xb9: {  	v22 =	vor.u32 v0, v22;
	v17 =	vld.idx.msk [tilespmem:v17+s10+$0x0], $0xffff;
	v23 =	vshll.u32 v23, $0x7  }
0xba: {  	v18 =	vld.idx.msk [tilespmem:v18+s10+$0x0], $0xffff;
	v24 =	vshll.u32 v24, $0x7;
	v23 =	vor.u32 v0, v23  }
0xbb: {  	v24 =	vor.u32 v0, v24;
	v25 =	vshll.u32 v25, $0x7;
	v27 =	vld [tilespmem:s18+$0x60]  }
0xbc: {  	v15 =	vshll.u32 v15, $0x7;
	v20 =	vld.idx.msk [tilespmem:v20+s10+$0x0], $0xffff;
	v25 =	vor.u32 v0, v25  }
0xbd: {  	v15 =	vor.u32 v0, v15;
	v26 =	vshll.u32 v26, $0x7;
	v21 =	vld.idx.msk [tilespmem:v21+s10+$0x0], $0xffff  }
0xbe: {  	v14 =	vshll.u32 v14, $0x7;
	v16 =	vadd.f32 $0.0e+00, v16;
	v26 =	vor.u32 v0, v26;
	v22 =	vld.idx.msk [tilespmem:v22+s10+$0x0], $0xffff  }
0xbf: {  	v14 =	vor.u32 v0, v14;
	v19 =	vshll.u32 v19, $0x7;
	v28 =	vmul.f32 v2, v17;
	v23 =	vld.idx.msk [tilespmem:v23+s10+$0x0], $0xffff  }
0xc0: {  	v13 =	vshll.u32 v13, $0x7;
	v19 =	vor.u32 v0, v19;
	v16 =	vadd.f32 v18, v16;
	v18 =	vld.idx.msk [tilespmem:v24+s10+$0x0], $0xffff  }
0xc1: {  	v13 =	vor.u32 v0, v13;
	v24 =	vadd.f32 $0.0e+00, v28;
	v27 =	vshll.u32 v27, $0x7;
	v25 =	vld.idx.msk [tilespmem:v25+s10+$0x0], $0xffff  }
0xc2: {  	v11 =	vshll.u32 v11, $0x7;
	v16 =	vadd.f32 v20, v16;
	v20 =	vor.u32 v0, v27;
	v15 =	vld.idx.msk [tilespmem:v15+s10+$0x0], $0xffff  }
0xc3: {  	v12 =	vshll.u32 v12, $0x7;
	v11 =	vor.u32 v0, v11;
	v21 =	vadd.f32 v21, v24;
	v24 =	vld.idx.msk [tilespmem:v26+s10+$0x0], $0xffff  }
0xc4: {  	v9 =	vshll.u32 v9, $0x7;
	v12 =	vor.u32 v0, v12;
	v16 =	vadd.f32 v22, v16;
	v14 =	vld.idx.msk [tilespmem:v14+s10+$0x0], $0xffff  }
0xc5: {  	v10 =	vshll.u32 v10, $0x7;
	v9 =	vor.u32 v0, v9;
	v21 =	vadd.f32 v23, v21;
	v19 =	vld.idx.msk [tilespmem:v19+s10+$0x0], $0xffff  }
0xc6: {  	v7 =	vshll.u32 v7, $0x7;
	v10 =	vor.u32 v0, v10;
	v16 =	vadd.f32 v18, v16;
	v13 =	vld.idx.msk [tilespmem:v13+s10+$0x0], $0xffff  }
0xc7: {  	v8 =	vshll.u32 v8, $0x7;
	v7 =	vor.u32 v0, v7;
	v18 =	vadd.f32 v25, v21;
	v20 =	vld.idx.msk [tilespmem:v20+s10+$0x0], $0xffff  }
0xc8: {  	v5 =	vshll.u32 v5, $0x7;
	v8 =	vor.u32 v0, v8;
	v15 =	vadd.f32 v15, v16;
	v11 =	vld.idx.msk [tilespmem:v11+s10+$0x0], $0xffff  }
0xc9: {  	v6 =	vshll.u32 v6, $0x7;
	v5 =	vor.u32 v0, v5;
	v16 =	vadd.f32 v24, v18;
	v12 =	vld.idx.msk [tilespmem:v12+s10+$0x0], $0xffff  }
0xca: {  	v6 =	vor.u32 v0, v6;
	v14 =	vadd.f32 v14, v15;
	v9 =	vld.idx.msk [tilespmem:v9+s10+$0x0], $0xffff  }
0xcb: {  	v4 =	vshll.u32 v4, $0x7;
	v15 =	vadd.f32 v19, v16;
	v10 =	vld.idx.msk [tilespmem:v10+s10+$0x0], $0xffff  }
0xcc: {  	v4 =	vor.u32 v0, v4;
	v13 =	vadd.f32 v13, v14;
	v7 =	vld.idx.msk [tilespmem:v7+s10+$0x0], $0xffff  }
0xcd: {  	v3 =	vshll.u32 v3, $0x7;
	v14 =	vadd.f32 v20, v15;
	v8 =	vld.idx.msk [tilespmem:v8+s10+$0x0], $0xffff  }
0xce: {  	v3 =	vor.u32 v0, v3;
	v11 =	vadd.f32 v11, v13;
	v5 =	vld.idx.msk [tilespmem:v5+s10+$0x0], $0xffff  }
0xcf: {  	v12 =	vadd.f32 v12, v14;
	v6 =	vld.idx.msk [tilespmem:v6+s10+$0x0], $0xffff  }
0xd0: {  	v9 =	vadd.f32 v9, v11  }
0xd1: {  	v10 =	vadd.f32 v10, v12;
	v4 =	vld.idx.msk [tilespmem:v4+s10+$0x0], $0xffff  }
0xd2: {  	v7 =	vadd.f32 v7, v9  }
0xd3: {  	v8 =	vadd.f32 v8, v10;
	v3 =	vld.idx.msk [tilespmem:v3+s10+$0x0], $0xffff  }
0xd4: {  	v5 =	vadd.f32 v5, v7;
	v7 =	vmul.f32 v1, v17  }
0xd5: {  	v6 =	vadd.f32 v6, v8  }
0xd6: {  	v5 =	vadd.f32 v7, v5  }
0xd7: {  	v4 =	vadd.f32 v4, v6  }
0xd8: {  	(xrf2) =	vadd.scan.msk.f32 $0xffff, v5  }
0xd9: {  	v3 =	vadd.f32 v3, v4;
	_ =	sdelay $0x1  }
0xda: {  	(xrf2) =	vadd.scan.msk.f32 $0xffff, v3  }
0xdb: {  	s21 =	sadd.s32 $0xFFFFFFFF, s17  }
0xdc: {  	v3 =	vmov s21  }
0xdd: {  	v3 =	vand.u32 $0xFFFFFFFE, v3  }
0xde: {  	v3 =	vbroadcast v3, $0x0;
	_ =	sdelay $0x1  }
0xdf: {  	v4 =	vmov s17;
	s17 =	smov.u32 s20  }
0xe0: {  	v5, _, _ =	vpop (xrf2);
	_ =	sdelay $0x2  }
0xe1: {  	s19 =	sadd.s32 $0x190, s19;
	[tilespmem:v3+s13+$0x0] =	vst.idx.msk vm0, v5;
	v3, _, _ =	vpop (xrf2)  }
0xe2: {  	s21 =	sand.u32 $0x7FF0, s19;
	[tilespmem:v4+s13+$0x0] =	vst.idx.msk vm0, v3  }
0xe3: {  	s18 =	sadd.s32 $0x190, s18;
	v3 =	vld [tilespmem:s21+$0x6580]  }
0xe4: {  	v5 =	vld [tilespmem:s18+$0xFFFFFFF0]  }
0xe5: {  	v4 =	vld [tilespmem:s18+$0xB0]  }
0xe6: {  	v7 =	vld [tilespmem:s18+$0xFFFFFFE0]  }
0xe7: {  	v6 =	vld [tilespmem:s18+$0xA0]  }
0xe8: {  	v9 =	vld [tilespmem:s18+$0xFFFFFFD0]  }
0xe9: {  	v8 =	vld [tilespmem:s18+$0x90]  }
0xea: {  	v11 =	vld [tilespmem:s21+$0x6480]  }
0xeb: {  	v10 =	vld [tilespmem:s18+$0x80]  }
0xec: {  	v13 =	vld [tilespmem:s18+$0xFFFFFFB0]  }
.Ltmp1:
0xed: {  	v12 =	vld [tilespmem:s18+$0x70];
	(pc) =	sbr.rel @p0 .LBB2_4-.Ltmp1, $4  }
0xee: {  	v14 =	vld [tilespmem:s18+$0xFFFFFFA0]  }
0xef: {  	v15 =	vld [tilespmem:s18+$0xFFFFFF90]  }
0xf0: {  	v16 =	vld [tilespmem:s18+$0xFFFFFF40]  }
0xf1: {  	s20 =	sadd.s32 $0x2, s20;
	v17 =	vld [tilespmem:s18+$0x0]  }
0xf2: {  	_ = 	snop  }
0xf3: {  	v18 =	vld [tilespmem:s18+$0xFFFFFF50]  }
0xf4: {  	v19 =	vld [tilespmem:s18+$0x50]  }
0xf5: {  	v20 =	vld [tilespmem:s18+$0x10]  }
0xf6: {  	v21 =	vld [tilespmem:s18+$0xFFFFFF60];
	v17 =	vshll.u32 v17, $0x7  }
0xf7: {  	v22 =	vld [tilespmem:s18+$0x20];
	v16 =	vshll.u32 v16, $0x7;
	v17 =	vor.u32 v0, v17  }
0xf8: {  	v23 =	vld [tilespmem:s18+$0xFFFFFF70];
	v16 =	vor.u32 v0, v16  }
0xf9: {  	v24 =	vld [tilespmem:s18+$0x30];
	v18 =	vshll.u32 v18, $0x7  }
0xfa: {  	v25 =	vld [tilespmem:s18+$0xFFFFFF80];
	v20 =	vshll.u32 v20, $0x7;
	v18 =	vor.u32 v0, v18  }
0xfb: {  	v26 =	vld [tilespmem:s21+$0x6500];
	v21 =	vshll.u32 v21, $0x7;
	v20 =	vor.u32 v0, v20  }
0xfc: {  	v22 =	vshll.u32 v22, $0x7;
	v21 =	vor.u32 v0, v21;
	v17 =	vld.idx.msk [tilespmem:v17+s10+$0x0], $0xffff  }
0xfd: {  	v23 =	vshll.u32 v23, $0x7;
	v22 =	vor.u32 v0, v22;
	v16 =	vld.idx.msk [tilespmem:v16+s10+$0x0], $0xffff  }
0xfe: {  	v27 =	vld [tilespmem:s18+$0x60];
	v24 =	vshll.u32 v24, $0x7;
	v23 =	vor.u32 v0, v23  }
0xff: {  	v25 =	vshll.u32 v25, $0x7;
	v24 =	vor.u32 v0, v24;
	v18 =	vld.idx.msk [tilespmem:v18+s10+$0x0], $0xffff  }
0x100: {  	v26 =	vshll.u32 v26, $0x7;
	v25 =	vor.u32 v0, v25;
	v20 =	vld.idx.msk [tilespmem:v20+s10+$0x0], $0xffff  }
0x101: {  	v15 =	vshll.u32 v15, $0x7;
	v26 =	vor.u32 v0, v26;
	v21 =	vld.idx.msk [tilespmem:v21+s10+$0x0], $0xffff;
	v28 =	vmul.f32 v2, v17  }
0x102: {  	v15 =	vor.u32 v0, v15;
	v19 =	vshll.u32 v19, $0x7;
	v22 =	vld.idx.msk [tilespmem:v22+s10+$0x0], $0xffff;
	v16 =	vadd.f32 $0.0e+00, v16  }
0x103: {  	v14 =	vshll.u32 v14, $0x7;
	v19 =	vor.u32 v0, v19;
	v23 =	vld.idx.msk [tilespmem:v23+s10+$0x0], $0xffff;
	v28 =	vadd.f32 $0.0e+00, v28  }
0x104: {  	v14 =	vor.u32 v0, v14;
	v61 =	vshll.u32 v27, $0x7;
	v16 =	vadd.f32 v18, v16;
	v18 =	vld.idx.msk [tilespmem:v24+s10+$0x0], $0xffff  }
0x105: {  	v13 =	vshll.u32 v13, $0x7;
	v25 =	vld.idx.msk [tilespmem:v25+s10+$0x0], $0xffff;
	v24 =	vor.u32 v0, v61;
	v20 =	vadd.f32 v20, v28  }
0x106: {  	v12 =	vshll.u32 v12, $0x7;
	v13 =	vor.u32 v0, v13;
	v62 =	vld.idx.msk [tilespmem:v26+s10+$0x0], $0xffff;
	v16 =	vadd.f32 v21, v16  }
0x107: {  	v11 =	vshll.u32 v11, $0x7;
	v12 =	vor.u32 v0, v12;
	v15 =	vld.idx.msk [tilespmem:v15+s10+$0x0], $0xffff;
	v20 =	vadd.f32 v22, v20  }
0x108: {  	v10 =	vshll.u32 v10, $0x7;
	v11 =	vor.u32 v0, v11;
	v19 =	vld.idx.msk [tilespmem:v19+s10+$0x0], $0xffff;
	v16 =	vadd.f32 v23, v16  }
0x109: {  	v9 =	vshll.u32 v9, $0x7;
	v10 =	vor.u32 v0, v10;
	v14 =	vld.idx.msk [tilespmem:v14+s10+$0x0], $0xffff;
	v18 =	vadd.f32 v18, v20  }
0x10a: {  	v8 =	vshll.u32 v8, $0x7;
	v9 =	vor.u32 v0, v9;
	v63 =	vld.idx.msk [tilespmem:v24+s10+$0x0], $0xffff;
	v16 =	vadd.f32 v25, v16  }
0x10b: {  	v7 =	vshll.u32 v7, $0x7;
	v8 =	vor.u32 v0, v8;
	v13 =	vld.idx.msk [tilespmem:v13+s10+$0x0], $0xffff;
	v18 =	vadd.f32 v62, v18  }
0x10c: {  	v6 =	vshll.u32 v6, $0x7;
	v7 =	vor.u32 v0, v7;
	v12 =	vld.idx.msk [tilespmem:v12+s10+$0x0], $0xffff;
	v15 =	vadd.f32 v15, v16  }
0x10d: {  	v5 =	vshll.u32 v5, $0x7;
	v6 =	vor.u32 v0, v6;
	v11 =	vld.idx.msk [tilespmem:v11+s10+$0x0], $0xffff;
	v16 =	vadd.f32 v19, v18  }
0x10e: {  	v4 =	vshll.u32 v4, $0x7;
	v5 =	vor.u32 v0, v5;
	v10 =	vld.idx.msk [tilespmem:v10+s10+$0x0], $0xffff;
	v14 =	vadd.f32 v14, v15  }
0x10f: {  	v4 =	vor.u32 v0, v4;
	v9 =	vld.idx.msk [tilespmem:v9+s10+$0x0], $0xffff;
	v15 =	vadd.f32 v63, v16  }
0x110: {  	v3 =	vshll.u32 v3, $0x7;
	v8 =	vld.idx.msk [tilespmem:v8+s10+$0x0], $0xffff;
	v13 =	vadd.f32 v13, v14  }
0x111: {  	v3 =	vor.u32 v0, v3;
	v7 =	vld.idx.msk [tilespmem:v7+s10+$0x0], $0xffff;
	v12 =	vadd.f32 v12, v15  }
0x112: {  	v6 =	vld.idx.msk [tilespmem:v6+s10+$0x0], $0xffff;
	v11 =	vadd.f32 v11, v13  }
0x113: {  	v5 =	vld.idx.msk [tilespmem:v5+s10+$0x0], $0xffff;
	v10 =	vadd.f32 v10, v12  }
0x114: {  	v4 =	vld.idx.msk [tilespmem:v4+s10+$0x0], $0xffff;
	v9 =	vadd.f32 v9, v11  }
0x115: {  	v8 =	vadd.f32 v8, v10  }
0x116: {  	v3 =	vld.idx.msk [tilespmem:v3+s10+$0x0], $0xffff;
	v7 =	vadd.f32 v7, v9  }
0x117: {  	v6 =	vadd.f32 v6, v8  }
0x118: {  	v5 =	vadd.f32 v5, v7;
	v7 =	vmul.f32 v1, v17  }
0x119: {  	v4 =	vadd.f32 v4, v6  }
0x11a: {  	v5 =	vadd.f32 v7, v5  }
0x11b: {  	v3 =	vadd.f32 v3, v4  }
0x11c: {  	(xrf2) =	vadd.scan.msk.f32 $0xffff, v5  }
0x11d: {  	(xrf2) =	vadd.scan.msk.f32 $0xffff, v3  }
0x11e: {  	s31 =	sadd.s32 $0xFFFFFFFF, s17  }
0x11f: {  	v3 =	vmov s31  }
0x120: {  	v3 =	vand.u32 $0xFFFFFFFE, v3  }
0x121: {  	v3 =	vbroadcast v3, $0x0;
	_ =	sdelay $0x1  }
0x122: {  	v4 =	vmov s17;
	_ =	sdelay $0x2  }
0x123: {  	v5, _, _ =	vpop (xrf2)  }
0x124: {  	[tilespmem:v3+s13+$0x0] =	vst.idx.msk vm0, v5;
	v3, _, _ =	vpop (xrf2)  }
0x125: {  	[tilespmem:v4+s13+$0x0] =	vst.idx.msk vm0, v3  }
0x126: {  	_ =	swait.ge [sflag:s15], $0x6400  }
0x127: {  	s19 =	simm.s32 $0x0;
	[sflag:s15] =	ssyncset.done $0x0  }
0x128: {  	s21 =	sand.u32 $0x7FF0, s19;
	[sflag:s15] =	ssyncadd.s32 $0xFFFF9C00  }
0x129: {  	[tilespmem:s12], [sflag:$0x2] =	stream.linear.gather [hbm4b:s7+s19], $0x6400, $0x38;
	[tilespmem:$0xDA00] =	vst v63  }
0x12a: {  	s18 =	simm.s32 $0xC0;
	v3 =	vld [tilespmem:s21+$0x180]  }
0x12b: {  	v5 =	vld [tilespmem:s18+$0xFFFFFFF0]  }
0x12c: {  	v4 =	vld [tilespmem:s18+$0xB0]  }
0x12d: {  	v7 =	vld [tilespmem:s18+$0xFFFFFFE0]  }
0x12e: {  	v6 =	vld [tilespmem:s18+$0xA0]  }
0x12f: {  	v9 =	vld [tilespmem:s18+$0xFFFFFFD0]  }
0x130: {  	v8 =	vld [tilespmem:s18+$0x90]  }
0x131: {  	v11 =	vld [tilespmem:s21+$0x80]  }
0x132: {  	v10 =	vld [tilespmem:s18+$0x80]  }
0x133: {  	v13 =	vld [tilespmem:s18+$0xFFFFFFB0]  }
0x134: {  	v12 =	vld [tilespmem:s18+$0x70]  }
0x135: {  	v14 =	vld [tilespmem:s18+$0xFFFFFFA0]  }
0x136: {  	v15 =	vld [tilespmem:s18+$0xFFFFFF90]  }
0x137: {  	v16 =	vld [tilespmem:s18+$0xFFFFFF40]  }
0x138: {  	s20 =	simm.s32 $0x102;
	s17 =	simm.s32 $0x100;
	v17 =	vld [tilespmem:s18+$0x0]  }
.LBB2_6:
0x139: {  	p0 =	sne.s32 s20, $0x17E;
	v18 =	vld [tilespmem:s18+$0xFFFFFF50]  }
0x13a: {  	v19 =	vld [tilespmem:s18+$0x50]  }
0x13b: {  	v20 =	vld [tilespmem:s18+$0xFFFFFF60]  }
0x13c: {  	v16 =	vshll.u32 v16, $0x7;
	v21 =	vld [tilespmem:s18+$0x10]  }
0x13d: {  	v16 =	vor.u32 v0, v16;
	v22 =	vld [tilespmem:s18+$0xFFFFFF70];
	v17 =	vshll.u32 v17, $0x7  }
0x13e: {  	v18 =	vshll.u32 v18, $0x7;
	v17 =	vor.u32 v0, v17;
	v23 =	vld [tilespmem:s18+$0x20]  }
0x13f: {  	v18 =	vor.u32 v0, v18;
	v24 =	vld [tilespmem:s18+$0xFFFFFF80]  }
0x140: {  	v20 =	vshll.u32 v20, $0x7;
	v25 =	vld [tilespmem:s18+$0x30]  }
0x141: {  	v20 =	vor.u32 v0, v20;
	v21 =	vshll.u32 v21, $0x7;
	v26 =	vld [tilespmem:s21+$0x100]  }
0x142: {  	v16 =	vld.idx.msk [tilespmem:v16+s10+$0x0], $0xffff;
	v22 =	vshll.u32 v22, $0x7;
	v21 =	vor.u32 v0, v21  }
0x143: {  	v22 =	vor.u32 v0, v22;
	v17 =	vld.idx.msk [tilespmem:v17+s10+$0x0], $0xffff;
	v23 =	vshll.u32 v23, $0x7  }
0x144: {  	v18 =	vld.idx.msk [tilespmem:v18+s10+$0x0], $0xffff;
	v24 =	vshll.u32 v24, $0x7;
	v23 =	vor.u32 v0, v23  }
0x145: {  	v24 =	vor.u32 v0, v24;
	v25 =	vshll.u32 v25, $0x7;
	v27 =	vld [tilespmem:s18+$0x60]  }
0x146: {  	v15 =	vshll.u32 v15, $0x7;
	v20 =	vld.idx.msk [tilespmem:v20+s10+$0x0], $0xffff;
	v25 =	vor.u32 v0, v25  }
0x147: {  	v15 =	vor.u32 v0, v15;
	v26 =	vshll.u32 v26, $0x7;
	v21 =	vld.idx.msk [tilespmem:v21+s10+$0x0], $0xffff  }
0x148: {  	v14 =	vshll.u32 v14, $0x7;
	v16 =	vadd.f32 $0.0e+00, v16;
	v26 =	vor.u32 v0, v26;
	v22 =	vld.idx.msk [tilespmem:v22+s10+$0x0], $0xffff  }
0x149: {  	v14 =	vor.u32 v0, v14;
	v19 =	vshll.u32 v19, $0x7;
	v28 =	vmul.f32 v2, v17;
	v23 =	vld.idx.msk [tilespmem:v23+s10+$0x0], $0xffff  }
0x14a: {  	v13 =	vshll.u32 v13, $0x7;
	v19 =	vor.u32 v0, v19;
	v16 =	vadd.f32 v18, v16;
	v18 =	vld.idx.msk [tilespmem:v24+s10+$0x0], $0xffff  }
0x14b: {  	v13 =	vor.u32 v0, v13;
	v24 =	vadd.f32 $0.0e+00, v28;
	v27 =	vshll.u32 v27, $0x7;
	v25 =	vld.idx.msk [tilespmem:v25+s10+$0x0], $0xffff  }
0x14c: {  	v11 =	vshll.u32 v11, $0x7;
	v16 =	vadd.f32 v20, v16;
	v20 =	vor.u32 v0, v27;
	v15 =	vld.idx.msk [tilespmem:v15+s10+$0x0], $0xffff  }
0x14d: {  	v12 =	vshll.u32 v12, $0x7;
	v11 =	vor.u32 v0, v11;
	v21 =	vadd.f32 v21, v24;
	v24 =	vld.idx.msk [tilespmem:v26+s10+$0x0], $0xffff  }
0x14e: {  	v9 =	vshll.u32 v9, $0x7;
	v12 =	vor.u32 v0, v12;
	v16 =	vadd.f32 v22, v16;
	v14 =	vld.idx.msk [tilespmem:v14+s10+$0x0], $0xffff  }
0x14f: {  	v10 =	vshll.u32 v10, $0x7;
	v9 =	vor.u32 v0, v9;
	v21 =	vadd.f32 v23, v21;
	v19 =	vld.idx.msk [tilespmem:v19+s10+$0x0], $0xffff  }
0x150: {  	v7 =	vshll.u32 v7, $0x7;
	v10 =	vor.u32 v0, v10;
	v16 =	vadd.f32 v18, v16;
	v13 =	vld.idx.msk [tilespmem:v13+s10+$0x0], $0xffff  }
0x151: {  	v8 =	vshll.u32 v8, $0x7;
	v7 =	vor.u32 v0, v7;
	v18 =	vadd.f32 v25, v21;
	v20 =	vld.idx.msk [tilespmem:v20+s10+$0x0], $0xffff  }
0x152: {  	v5 =	vshll.u32 v5, $0x7;
	v8 =	vor.u32 v0, v8;
	v15 =	vadd.f32 v15, v16;
	v11 =	vld.idx.msk [tilespmem:v11+s10+$0x0], $0xffff  }
0x153: {  	v6 =	vshll.u32 v6, $0x7;
	v5 =	vor.u32 v0, v5;
	v16 =	vadd.f32 v24, v18;
	v12 =	vld.idx.msk [tilespmem:v12+s10+$0x0], $0xffff  }
0x154: {  	v6 =	vor.u32 v0, v6;
	v14 =	vadd.f32 v14, v15;
	v9 =	vld.idx.msk [tilespmem:v9+s10+$0x0], $0xffff  }
0x155: {  	v4 =	vshll.u32 v4, $0x7;
	v15 =	vadd.f32 v19, v16;
	v10 =	vld.idx.msk [tilespmem:v10+s10+$0x0], $0xffff  }
0x156: {  	v4 =	vor.u32 v0, v4;
	v13 =	vadd.f32 v13, v14;
	v7 =	vld.idx.msk [tilespmem:v7+s10+$0x0], $0xffff  }
0x157: {  	v3 =	vshll.u32 v3, $0x7;
	v14 =	vadd.f32 v20, v15;
	v8 =	vld.idx.msk [tilespmem:v8+s10+$0x0], $0xffff  }
0x158: {  	v3 =	vor.u32 v0, v3;
	v11 =	vadd.f32 v11, v13;
	v5 =	vld.idx.msk [tilespmem:v5+s10+$0x0], $0xffff  }
0x159: {  	v12 =	vadd.f32 v12, v14;
	v6 =	vld.idx.msk [tilespmem:v6+s10+$0x0], $0xffff  }
0x15a: {  	v9 =	vadd.f32 v9, v11  }
0x15b: {  	v10 =	vadd.f32 v10, v12;
	v4 =	vld.idx.msk [tilespmem:v4+s10+$0x0], $0xffff  }
0x15c: {  	v7 =	vadd.f32 v7, v9  }
0x15d: {  	v8 =	vadd.f32 v8, v10;
	v3 =	vld.idx.msk [tilespmem:v3+s10+$0x0], $0xffff  }
0x15e: {  	v5 =	vadd.f32 v5, v7;
	v7 =	vmul.f32 v1, v17  }
0x15f: {  	v6 =	vadd.f32 v6, v8  }
0x160: {  	v5 =	vadd.f32 v7, v5  }
0x161: {  	v4 =	vadd.f32 v4, v6  }
0x162: {  	(xrf2) =	vadd.scan.msk.f32 $0xffff, v5  }
0x163: {  	v3 =	vadd.f32 v3, v4;
	_ =	sdelay $0x1  }
0x164: {  	(xrf2) =	vadd.scan.msk.f32 $0xffff, v3;
	_ =	sdelay $0x1  }
0x165: {  	v3 =	vmov s17  }
0x166: {  	v3 =	vand.u32 $0xFFFFFFFE, v3  }
0x167: {  	v3 =	vbroadcast v3, $0x0  }
0x168: {  	s21 =	sadd.s32 $0x1, s17;
	s17 =	smov.u32 s20  }
0x169: {  	v4 =	vmov s21  }
0x16a: {  	v5, _, _ =	vpop (xrf2);
	_ =	sdelay $0x2  }
0x16b: {  	s19 =	sadd.s32 $0x190, s19;
	[tilespmem:v3+s13+$0x0] =	vst.idx.msk vm0, v5;
	v3, _, _ =	vpop (xrf2)  }
0x16c: {  	s21 =	sand.u32 $0x7FF0, s19;
	[tilespmem:v4+s13+$0x0] =	vst.idx.msk vm0, v3  }
0x16d: {  	s18 =	sadd.s32 $0x190, s18;
	v3 =	vld [tilespmem:s21+$0x180]  }
0x16e: {  	v5 =	vld [tilespmem:s18+$0xFFFFFFF0]  }
0x16f: {  	v4 =	vld [tilespmem:s18+$0xB0]  }
0x170: {  	v7 =	vld [tilespmem:s18+$0xFFFFFFE0]  }
0x171: {  	v6 =	vld [tilespmem:s18+$0xA0]  }
0x172: {  	v9 =	vld [tilespmem:s18+$0xFFFFFFD0]  }
0x173: {  	v8 =	vld [tilespmem:s18+$0x90]  }
0x174: {  	v11 =	vld [tilespmem:s21+$0x80]  }
0x175: {  	v10 =	vld [tilespmem:s18+$0x80]  }
0x176: {  	v13 =	vld [tilespmem:s18+$0xFFFFFFB0]  }
.Ltmp2:
0x177: {  	v12 =	vld [tilespmem:s18+$0x70];
	(pc) =	sbr.rel @p0 .LBB2_6-.Ltmp2, $4  }
0x178: {  	v14 =	vld [tilespmem:s18+$0xFFFFFFA0]  }
0x179: {  	v15 =	vld [tilespmem:s18+$0xFFFFFF90]  }
0x17a: {  	v16 =	vld [tilespmem:s18+$0xFFFFFF40]  }
0x17b: {  	s20 =	sadd.s32 $0x2, s20;
	v17 =	vld [tilespmem:s18+$0x0]  }
0x17c: {  	_ = 	snop  }
0x17d: {  	v18 =	vld [tilespmem:s18+$0xFFFFFF50]  }
0x17e: {  	v19 =	vld [tilespmem:s18+$0x50]  }
0x17f: {  	v20 =	vld [tilespmem:s18+$0x10]  }
0x180: {  	v21 =	vld [tilespmem:s18+$0xFFFFFF60];
	v17 =	vshll.u32 v17, $0x7  }
0x181: {  	v22 =	vld [tilespmem:s18+$0x20];
	v16 =	vshll.u32 v16, $0x7;
	v17 =	vor.u32 v0, v17  }
0x182: {  	v23 =	vld [tilespmem:s18+$0xFFFFFF70];
	v16 =	vor.u32 v0, v16  }
0x183: {  	v24 =	vld [tilespmem:s18+$0x30];
	v18 =	vshll.u32 v18, $0x7  }
0x184: {  	v25 =	vld [tilespmem:s18+$0xFFFFFF80];
	v20 =	vshll.u32 v20, $0x7;
	v18 =	vor.u32 v0, v18  }
0x185: {  	v26 =	vld [tilespmem:s21+$0x100];
	v21 =	vshll.u32 v21, $0x7;
	v20 =	vor.u32 v0, v20  }
0x186: {  	v22 =	vshll.u32 v22, $0x7;
	v21 =	vor.u32 v0, v21;
	v17 =	vld.idx.msk [tilespmem:v17+s10+$0x0], $0xffff  }
0x187: {  	v23 =	vshll.u32 v23, $0x7;
	v22 =	vor.u32 v0, v22;
	v16 =	vld.idx.msk [tilespmem:v16+s10+$0x0], $0xffff  }
0x188: {  	v27 =	vld [tilespmem:s18+$0x60];
	v24 =	vshll.u32 v24, $0x7;
	v23 =	vor.u32 v0, v23  }
0x189: {  	v25 =	vshll.u32 v25, $0x7;
	v24 =	vor.u32 v0, v24;
	v18 =	vld.idx.msk [tilespmem:v18+s10+$0x0], $0xffff  }
0x18a: {  	v26 =	vshll.u32 v26, $0x7;
	v25 =	vor.u32 v0, v25;
	v20 =	vld.idx.msk [tilespmem:v20+s10+$0x0], $0xffff  }
0x18b: {  	v15 =	vshll.u32 v15, $0x7;
	v26 =	vor.u32 v0, v26;
	v21 =	vld.idx.msk [tilespmem:v21+s10+$0x0], $0xffff;
	v28 =	vmul.f32 v2, v17  }
0x18c: {  	v15 =	vor.u32 v0, v15;
	v19 =	vshll.u32 v19, $0x7;
	v22 =	vld.idx.msk [tilespmem:v22+s10+$0x0], $0xffff;
	v16 =	vadd.f32 $0.0e+00, v16  }
0x18d: {  	v14 =	vshll.u32 v14, $0x7;
	v19 =	vor.u32 v0, v19;
	v23 =	vld.idx.msk [tilespmem:v23+s10+$0x0], $0xffff;
	v28 =	vadd.f32 $0.0e+00, v28  }
0x18e: {  	v14 =	vor.u32 v0, v14;
	v61 =	vshll.u32 v27, $0x7;
	v16 =	vadd.f32 v18, v16;
	v18 =	vld.idx.msk [tilespmem:v24+s10+$0x0], $0xffff  }
0x18f: {  	v13 =	vshll.u32 v13, $0x7;
	v25 =	vld.idx.msk [tilespmem:v25+s10+$0x0], $0xffff;
	v24 =	vor.u32 v0, v61;
	v20 =	vadd.f32 v20, v28  }
0x190: {  	v12 =	vshll.u32 v12, $0x7;
	v13 =	vor.u32 v0, v13;
	v62 =	vld.idx.msk [tilespmem:v26+s10+$0x0], $0xffff;
	v16 =	vadd.f32 v21, v16  }
0x191: {  	v11 =	vshll.u32 v11, $0x7;
	v12 =	vor.u32 v0, v12;
	v15 =	vld.idx.msk [tilespmem:v15+s10+$0x0], $0xffff;
	v20 =	vadd.f32 v22, v20  }
0x192: {  	v10 =	vshll.u32 v10, $0x7;
	v11 =	vor.u32 v0, v11;
	v19 =	vld.idx.msk [tilespmem:v19+s10+$0x0], $0xffff;
	v16 =	vadd.f32 v23, v16  }
0x193: {  	v9 =	vshll.u32 v9, $0x7;
	v10 =	vor.u32 v0, v10;
	v14 =	vld.idx.msk [tilespmem:v14+s10+$0x0], $0xffff;
	v18 =	vadd.f32 v18, v20  }
0x194: {  	v8 =	vshll.u32 v8, $0x7;
	v9 =	vor.u32 v0, v9;
	v63 =	vld.idx.msk [tilespmem:v24+s10+$0x0], $0xffff;
	v16 =	vadd.f32 v25, v16  }
0x195: {  	v7 =	vshll.u32 v7, $0x7;
	v8 =	vor.u32 v0, v8;
	v13 =	vld.idx.msk [tilespmem:v13+s10+$0x0], $0xffff;
	v18 =	vadd.f32 v62, v18  }
0x196: {  	v6 =	vshll.u32 v6, $0x7;
	v7 =	vor.u32 v0, v7;
	v12 =	vld.idx.msk [tilespmem:v12+s10+$0x0], $0xffff;
	v15 =	vadd.f32 v15, v16  }
0x197: {  	v5 =	vshll.u32 v5, $0x7;
	v6 =	vor.u32 v0, v6;
	v11 =	vld.idx.msk [tilespmem:v11+s10+$0x0], $0xffff;
	v16 =	vadd.f32 v19, v18  }
0x198: {  	v4 =	vshll.u32 v4, $0x7;
	v5 =	vor.u32 v0, v5;
	v10 =	vld.idx.msk [tilespmem:v10+s10+$0x0], $0xffff;
	v14 =	vadd.f32 v14, v15  }
0x199: {  	v4 =	vor.u32 v0, v4;
	v9 =	vld.idx.msk [tilespmem:v9+s10+$0x0], $0xffff;
	v15 =	vadd.f32 v63, v16  }
0x19a: {  	v3 =	vshll.u32 v3, $0x7;
	v8 =	vld.idx.msk [tilespmem:v8+s10+$0x0], $0xffff;
	v13 =	vadd.f32 v13, v14  }
0x19b: {  	v3 =	vor.u32 v0, v3;
	v7 =	vld.idx.msk [tilespmem:v7+s10+$0x0], $0xffff;
	v12 =	vadd.f32 v12, v15  }
0x19c: {  	v6 =	vld.idx.msk [tilespmem:v6+s10+$0x0], $0xffff;
	v11 =	vadd.f32 v11, v13  }
0x19d: {  	v5 =	vld.idx.msk [tilespmem:v5+s10+$0x0], $0xffff;
	v10 =	vadd.f32 v10, v12  }
0x19e: {  	v4 =	vld.idx.msk [tilespmem:v4+s10+$0x0], $0xffff;
	v9 =	vadd.f32 v9, v11  }
0x19f: {  	v8 =	vadd.f32 v8, v10  }
0x1a0: {  	v3 =	vld.idx.msk [tilespmem:v3+s10+$0x0], $0xffff;
	v7 =	vadd.f32 v7, v9  }
0x1a1: {  	v6 =	vadd.f32 v6, v8  }
0x1a2: {  	v5 =	vadd.f32 v5, v7;
	v7 =	vmul.f32 v1, v17  }
0x1a3: {  	v4 =	vadd.f32 v4, v6  }
0x1a4: {  	v5 =	vadd.f32 v7, v5  }
0x1a5: {  	v3 =	vadd.f32 v3, v4  }
0x1a6: {  	(xrf2) =	vadd.scan.msk.f32 $0xffff, v5  }
0x1a7: {  	(xrf2) =	vadd.scan.msk.f32 $0xffff, v3;
	_ =	sdelay $0x1  }
0x1a8: {  	v3 =	vmov s17  }
0x1a9: {  	v3 =	vand.u32 $0xFFFFFFFE, v3  }
0x1aa: {  	v3 =	vbroadcast v3, $0x0  }
0x1ab: {  	s31 =	sadd.s32 $0x1, s17  }
0x1ac: {  	v4 =	vmov s31;
	_ =	sdelay $0x2  }
0x1ad: {  	v5, _, _ =	vpop (xrf2)  }
0x1ae: {  	[tilespmem:v3+s13+$0x0] =	vst.idx.msk vm0, v5;
	v3, _, _ =	vpop (xrf2)  }
0x1af: {  	[tilespmem:v4+s13+$0x0] =	vst.idx.msk vm0, v3  }
0x1b0: {  	_ =	swait.ge [sflag:s14], $0x6400  }
0x1b1: {  	s19 =	simm.s32 $0x0;
	[sflag:s14] =	ssyncset.done $0x0  }
0x1b2: {  	s21 =	sand.u32 $0x7FF0, s19;
	[sflag:s14] =	ssyncadd.s32 $0xFFFF9C00  }
0x1b3: {  	s18 =	simm.s32 $0x64C0;
	v3 =	vld [tilespmem:s21+$0x6580]  }
0x1b4: {  	v5 =	vld [tilespmem:s18+$0xFFFFFFF0]  }
0x1b5: {  	v4 =	vld [tilespmem:s18+$0xB0]  }
0x1b6: {  	v7 =	vld [tilespmem:s18+$0xFFFFFFE0]  }
0x1b7: {  	v6 =	vld [tilespmem:s18+$0xA0]  }
0x1b8: {  	v9 =	vld [tilespmem:s18+$0xFFFFFFD0]  }
0x1b9: {  	v8 =	vld [tilespmem:s18+$0x90]  }
0x1ba: {  	v11 =	vld [tilespmem:s21+$0x6480]  }
0x1bb: {  	v10 =	vld [tilespmem:s18+$0x80]  }
0x1bc: {  	v13 =	vld [tilespmem:s18+$0xFFFFFFB0]  }
0x1bd: {  	v12 =	vld [tilespmem:s18+$0x70]  }
0x1be: {  	v14 =	vld [tilespmem:s18+$0xFFFFFFA0]  }
0x1bf: {  	v15 =	vld [tilespmem:s18+$0xFFFFFF90]  }
0x1c0: {  	v16 =	vld [tilespmem:s18+$0xFFFFFF40]  }
0x1c1: {  	s20 =	simm.s32 $0x182;
	s17 =	simm.s32 $0x180;
	v17 =	vld [tilespmem:s18+$0x0]  }
.LBB2_8:
0x1c2: {  	p0 =	sne.s32 s20, $0x1FE;
	v18 =	vld [tilespmem:s18+$0xFFFFFF50]  }
0x1c3: {  	v19 =	vld [tilespmem:s18+$0x50]  }
0x1c4: {  	v20 =	vld [tilespmem:s18+$0xFFFFFF60]  }
0x1c5: {  	v16 =	vshll.u32 v16, $0x7;
	v21 =	vld [tilespmem:s18+$0x10]  }
0x1c6: {  	v16 =	vor.u32 v0, v16;
	v22 =	vld [tilespmem:s18+$0xFFFFFF70];
	v17 =	vshll.u32 v17, $0x7  }
0x1c7: {  	v18 =	vshll.u32 v18, $0x7;
	v17 =	vor.u32 v0, v17;
	v23 =	vld [tilespmem:s18+$0x20]  }
0x1c8: {  	v18 =	vor.u32 v0, v18;
	v24 =	vld [tilespmem:s18+$0xFFFFFF80]  }
0x1c9: {  	v20 =	vshll.u32 v20, $0x7;
	v25 =	vld [tilespmem:s18+$0x30]  }
0x1ca: {  	v20 =	vor.u32 v0, v20;
	v21 =	vshll.u32 v21, $0x7;
	v26 =	vld [tilespmem:s21+$0x6500]  }
0x1cb: {  	v16 =	vld.idx.msk [tilespmem:v16+s10+$0x0], $0xffff;
	v22 =	vshll.u32 v22, $0x7;
	v21 =	vor.u32 v0, v21  }
0x1cc: {  	v22 =	vor.u32 v0, v22;
	v17 =	vld.idx.msk [tilespmem:v17+s10+$0x0], $0xffff;
	v23 =	vshll.u32 v23, $0x7  }
0x1cd: {  	v18 =	vld.idx.msk [tilespmem:v18+s10+$0x0], $0xffff;
	v24 =	vshll.u32 v24, $0x7;
	v23 =	vor.u32 v0, v23  }
0x1ce: {  	v24 =	vor.u32 v0, v24;
	v25 =	vshll.u32 v25, $0x7;
	v27 =	vld [tilespmem:s18+$0x60]  }
0x1cf: {  	v15 =	vshll.u32 v15, $0x7;
	v20 =	vld.idx.msk [tilespmem:v20+s10+$0x0], $0xffff;
	v25 =	vor.u32 v0, v25  }
0x1d0: {  	v15 =	vor.u32 v0, v15;
	v26 =	vshll.u32 v26, $0x7;
	v21 =	vld.idx.msk [tilespmem:v21+s10+$0x0], $0xffff  }
0x1d1: {  	v14 =	vshll.u32 v14, $0x7;
	v16 =	vadd.f32 $0.0e+00, v16;
	v26 =	vor.u32 v0, v26;
	v22 =	vld.idx.msk [tilespmem:v22+s10+$0x0], $0xffff  }
0x1d2: {  	v14 =	vor.u32 v0, v14;
	v19 =	vshll.u32 v19, $0x7;
	v28 =	vmul.f32 v2, v17;
	v23 =	vld.idx.msk [tilespmem:v23+s10+$0x0], $0xffff  }
0x1d3: {  	v13 =	vshll.u32 v13, $0x7;
	v19 =	vor.u32 v0, v19;
	v16 =	vadd.f32 v18, v16;
	v18 =	vld.idx.msk [tilespmem:v24+s10+$0x0], $0xffff  }
0x1d4: {  	v13 =	vor.u32 v0, v13;
	v24 =	vadd.f32 $0.0e+00, v28;
	v27 =	vshll.u32 v27, $0x7;
	v25 =	vld.idx.msk [tilespmem:v25+s10+$0x0], $0xffff  }
0x1d5: {  	v11 =	vshll.u32 v11, $0x7;
	v16 =	vadd.f32 v20, v16;
	v20 =	vor.u32 v0, v27;
	v15 =	vld.idx.msk [tilespmem:v15+s10+$0x0], $0xffff  }
0x1d6: {  	v12 =	vshll.u32 v12, $0x7;
	v11 =	vor.u32 v0, v11;
	v21 =	vadd.f32 v21, v24;
	v24 =	vld.idx.msk [tilespmem:v26+s10+$0x0], $0xffff  }
0x1d7: {  	v9 =	vshll.u32 v9, $0x7;
	v12 =	vor.u32 v0, v12;
	v16 =	vadd.f32 v22, v16;
	v14 =	vld.idx.msk [tilespmem:v14+s10+$0x0], $0xffff  }
0x1d8: {  	v10 =	vshll.u32 v10, $0x7;
	v9 =	vor.u32 v0, v9;
	v21 =	vadd.f32 v23, v21;
	v19 =	vld.idx.msk [tilespmem:v19+s10+$0x0], $0xffff  }
0x1d9: {  	v7 =	vshll.u32 v7, $0x7;
	v10 =	vor.u32 v0, v10;
	v16 =	vadd.f32 v18, v16;
	v13 =	vld.idx.msk [tilespmem:v13+s10+$0x0], $0xffff  }
0x1da: {  	v8 =	vshll.u32 v8, $0x7;
	v7 =	vor.u32 v0, v7;
	v18 =	vadd.f32 v25, v21;
	v20 =	vld.idx.msk [tilespmem:v20+s10+$0x0], $0xffff  }
0x1db: {  	v5 =	vshll.u32 v5, $0x7;
	v8 =	vor.u32 v0, v8;
	v15 =	vadd.f32 v15, v16;
	v11 =	vld.idx.msk [tilespmem:v11+s10+$0x0], $0xffff  }
0x1dc: {  	v6 =	vshll.u32 v6, $0x7;
	v5 =	vor.u32 v0, v5;
	v16 =	vadd.f32 v24, v18;
	v12 =	vld.idx.msk [tilespmem:v12+s10+$0x0], $0xffff  }
0x1dd: {  	v6 =	vor.u32 v0, v6;
	v14 =	vadd.f32 v14, v15;
	v9 =	vld.idx.msk [tilespmem:v9+s10+$0x0], $0xffff  }
0x1de: {  	v4 =	vshll.u32 v4, $0x7;
	v15 =	vadd.f32 v19, v16;
	v10 =	vld.idx.msk [tilespmem:v10+s10+$0x0], $0xffff  }
0x1df: {  	v4 =	vor.u32 v0, v4;
	v13 =	vadd.f32 v13, v14;
	v7 =	vld.idx.msk [tilespmem:v7+s10+$0x0], $0xffff  }
0x1e0: {  	v3 =	vshll.u32 v3, $0x7;
	v14 =	vadd.f32 v20, v15;
	v8 =	vld.idx.msk [tilespmem:v8+s10+$0x0], $0xffff  }
0x1e1: {  	v3 =	vor.u32 v0, v3;
	v11 =	vadd.f32 v11, v13;
	v5 =	vld.idx.msk [tilespmem:v5+s10+$0x0], $0xffff  }
0x1e2: {  	v12 =	vadd.f32 v12, v14;
	v6 =	vld.idx.msk [tilespmem:v6+s10+$0x0], $0xffff  }
0x1e3: {  	v9 =	vadd.f32 v9, v11  }
0x1e4: {  	v10 =	vadd.f32 v10, v12;
	v4 =	vld.idx.msk [tilespmem:v4+s10+$0x0], $0xffff  }
0x1e5: {  	v7 =	vadd.f32 v7, v9  }
0x1e6: {  	v8 =	vadd.f32 v8, v10;
	v3 =	vld.idx.msk [tilespmem:v3+s10+$0x0], $0xffff  }
0x1e7: {  	v5 =	vadd.f32 v5, v7;
	v7 =	vmul.f32 v1, v17  }
0x1e8: {  	v6 =	vadd.f32 v6, v8  }
0x1e9: {  	v5 =	vadd.f32 v7, v5  }
0x1ea: {  	v4 =	vadd.f32 v4, v6  }
0x1eb: {  	(xrf2) =	vadd.scan.msk.f32 $0xffff, v5  }
0x1ec: {  	v3 =	vadd.f32 v3, v4;
	_ =	sdelay $0x1  }
0x1ed: {  	(xrf2) =	vadd.scan.msk.f32 $0xffff, v3;
	_ =	sdelay $0x1  }
0x1ee: {  	v3 =	vmov s17  }
0x1ef: {  	v3 =	vand.u32 $0xFFFFFFFE, v3  }
0x1f0: {  	v3 =	vbroadcast v3, $0x0  }
0x1f1: {  	s21 =	sadd.s32 $0x1, s17;
	s17 =	smov.u32 s20  }
0x1f2: {  	v4 =	vmov s21  }
0x1f3: {  	v5, _, _ =	vpop (xrf2);
	_ =	sdelay $0x2  }
0x1f4: {  	s19 =	sadd.s32 $0x190, s19;
	[tilespmem:v3+s13+$0x0] =	vst.idx.msk vm0, v5;
	v3, _, _ =	vpop (xrf2)  }
0x1f5: {  	s21 =	sand.u32 $0x7FF0, s19;
	[tilespmem:v4+s13+$0x0] =	vst.idx.msk vm0, v3  }
0x1f6: {  	s18 =	sadd.s32 $0x190, s18;
	v3 =	vld [tilespmem:s21+$0x6580]  }
0x1f7: {  	v5 =	vld [tilespmem:s18+$0xFFFFFFF0]  }
0x1f8: {  	v4 =	vld [tilespmem:s18+$0xB0]  }
0x1f9: {  	v7 =	vld [tilespmem:s18+$0xFFFFFFE0]  }
0x1fa: {  	v6 =	vld [tilespmem:s18+$0xA0]  }
0x1fb: {  	v9 =	vld [tilespmem:s18+$0xFFFFFFD0]  }
0x1fc: {  	v8 =	vld [tilespmem:s18+$0x90]  }
0x1fd: {  	v11 =	vld [tilespmem:s21+$0x6480]  }
0x1fe: {  	v10 =	vld [tilespmem:s18+$0x80]  }
0x1ff: {  	v13 =	vld [tilespmem:s18+$0xFFFFFFB0]  }
.Ltmp3:
0x200: {  	v12 =	vld [tilespmem:s18+$0x70];
	(pc) =	sbr.rel @p0 .LBB2_8-.Ltmp3, $4  }
0x201: {  	v14 =	vld [tilespmem:s18+$0xFFFFFFA0]  }
0x202: {  	v15 =	vld [tilespmem:s18+$0xFFFFFF90]  }
0x203: {  	v16 =	vld [tilespmem:s18+$0xFFFFFF40]  }
0x204: {  	s20 =	sadd.s32 $0x2, s20;
	v17 =	vld [tilespmem:s18+$0x0]  }
0x205: {  	_ = 	snop  }
0x206: {  	v18 =	vld [tilespmem:s18+$0xFFFFFF50]  }
0x207: {  	v19 =	vld [tilespmem:s18+$0x50]  }
0x208: {  	v20 =	vld [tilespmem:s18+$0x10]  }
0x209: {  	v21 =	vld [tilespmem:s18+$0xFFFFFF60];
	v17 =	vshll.u32 v17, $0x7  }
0x20a: {  	v22 =	vld [tilespmem:s18+$0x20];
	v16 =	vshll.u32 v16, $0x7;
	v17 =	vor.u32 v0, v17  }
0x20b: {  	v23 =	vld [tilespmem:s18+$0xFFFFFF70];
	v16 =	vor.u32 v0, v16  }
0x20c: {  	v24 =	vld [tilespmem:s18+$0x30];
	v18 =	vshll.u32 v18, $0x7  }
0x20d: {  	v25 =	vld [tilespmem:s18+$0xFFFFFF80];
	v20 =	vshll.u32 v20, $0x7;
	v18 =	vor.u32 v0, v18  }
0x20e: {  	v26 =	vld [tilespmem:s21+$0x6500];
	v21 =	vshll.u32 v21, $0x7;
	v20 =	vor.u32 v0, v20  }
0x20f: {  	v22 =	vshll.u32 v22, $0x7;
	v21 =	vor.u32 v0, v21;
	v17 =	vld.idx.msk [tilespmem:v17+s10+$0x0], $0xffff  }
0x210: {  	v23 =	vshll.u32 v23, $0x7;
	v22 =	vor.u32 v0, v22;
	v16 =	vld.idx.msk [tilespmem:v16+s10+$0x0], $0xffff  }
0x211: {  	v27 =	vld [tilespmem:s18+$0x60];
	v24 =	vshll.u32 v24, $0x7;
	v23 =	vor.u32 v0, v23  }
0x212: {  	v25 =	vshll.u32 v25, $0x7;
	v24 =	vor.u32 v0, v24;
	v18 =	vld.idx.msk [tilespmem:v18+s10+$0x0], $0xffff  }
0x213: {  	v26 =	vshll.u32 v26, $0x7;
	v25 =	vor.u32 v0, v25;
	v20 =	vld.idx.msk [tilespmem:v20+s10+$0x0], $0xffff  }
0x214: {  	v15 =	vshll.u32 v15, $0x7;
	v26 =	vor.u32 v0, v26;
	v21 =	vld.idx.msk [tilespmem:v21+s10+$0x0], $0xffff;
	v28 =	vmul.f32 v2, v17  }
0x215: {  	v15 =	vor.u32 v0, v15;
	v19 =	vshll.u32 v19, $0x7;
	v22 =	vld.idx.msk [tilespmem:v22+s10+$0x0], $0xffff;
	v16 =	vadd.f32 $0.0e+00, v16  }
0x216: {  	v14 =	vshll.u32 v14, $0x7;
	v19 =	vor.u32 v0, v19;
	v23 =	vld.idx.msk [tilespmem:v23+s10+$0x0], $0xffff;
	v28 =	vadd.f32 $0.0e+00, v28  }
0x217: {  	v14 =	vor.u32 v0, v14;
	v59 =	vshll.u32 v27, $0x7;
	v58 =	vld.idx.msk [tilespmem:v24+s10+$0x0], $0xffff;
	v16 =	vadd.f32 v18, v16  }
0x218: {  	v13 =	vshll.u32 v13, $0x7;
	v25 =	vld.idx.msk [tilespmem:v25+s10+$0x0], $0xffff;
	v24 =	vor.u32 v0, v59;
	v20 =	vadd.f32 v20, v28  }
0x219: {  	v12 =	vshll.u32 v12, $0x7;
	v13 =	vor.u32 v0, v13;
	v60 =	vld.idx.msk [tilespmem:v26+s10+$0x0], $0xffff;
	v16 =	vadd.f32 v21, v16  }
0x21a: {  	v11 =	vshll.u32 v11, $0x7;
	v12 =	vor.u32 v0, v12;
	v15 =	vld.idx.msk [tilespmem:v15+s10+$0x0], $0xffff;
	v20 =	vadd.f32 v22, v20  }
0x21b: {  	v10 =	vshll.u32 v10, $0x7;
	v11 =	vor.u32 v0, v11;
	v19 =	vld.idx.msk [tilespmem:v19+s10+$0x0], $0xffff;
	v16 =	vadd.f32 v23, v16  }
0x21c: {  	v9 =	vshll.u32 v9, $0x7;
	v10 =	vor.u32 v0, v10;
	v14 =	vld.idx.msk [tilespmem:v14+s10+$0x0], $0xffff;
	v18 =	vadd.f32 v58, v20  }
0x21d: {  	v8 =	vshll.u32 v8, $0x7;
	v9 =	vor.u32 v0, v9;
	v61 =	vld.idx.msk [tilespmem:v24+s10+$0x0], $0xffff;
	v16 =	vadd.f32 v25, v16  }
0x21e: {  	v7 =	vshll.u32 v7, $0x7;
	v8 =	vor.u32 v0, v8;
	v13 =	vld.idx.msk [tilespmem:v13+s10+$0x0], $0xffff;
	v18 =	vadd.f32 v60, v18  }
0x21f: {  	v6 =	vshll.u32 v6, $0x7;
	v7 =	vor.u32 v0, v7;
	v12 =	vld.idx.msk [tilespmem:v12+s10+$0x0], $0xffff;
	v15 =	vadd.f32 v15, v16  }
0x220: {  	v5 =	vshll.u32 v5, $0x7;
	v6 =	vor.u32 v0, v6;
	v11 =	vld.idx.msk [tilespmem:v11+s10+$0x0], $0xffff;
	v62 =	vadd.f32 v19, v18  }
0x221: {  	v4 =	vshll.u32 v4, $0x7;
	v5 =	vor.u32 v0, v5;
	v10 =	vld.idx.msk [tilespmem:v10+s10+$0x0], $0xffff;
	v14 =	vadd.f32 v14, v15  }
0x222: {  	v4 =	vor.u32 v0, v4;
	v9 =	vld.idx.msk [tilespmem:v9+s10+$0x0], $0xffff;
	v63 =	vadd.f32 v61, v62  }
0x223: {  	v3 =	vshll.u32 v3, $0x7;
	v8 =	vld.idx.msk [tilespmem:v8+s10+$0x0], $0xffff;
	v13 =	vadd.f32 v13, v14  }
0x224: {  	v3 =	vor.u32 v0, v3;
	v7 =	vld.idx.msk [tilespmem:v7+s10+$0x0], $0xffff;
	v12 =	vadd.f32 v12, v63  }
0x225: {  	v6 =	vld.idx.msk [tilespmem:v6+s10+$0x0], $0xffff;
	v11 =	vadd.f32 v11, v13  }
0x226: {  	v5 =	vld.idx.msk [tilespmem:v5+s10+$0x0], $0xffff;
	v10 =	vadd.f32 v10, v12  }
0x227: {  	v4 =	vld.idx.msk [tilespmem:v4+s10+$0x0], $0xffff;
	v9 =	vadd.f32 v9, v11  }
0x228: {  	v8 =	vadd.f32 v8, v10  }
0x229: {  	v3 =	vld.idx.msk [tilespmem:v3+s10+$0x0], $0xffff;
	v7 =	vadd.f32 v7, v9  }
0x22a: {  	v6 =	vadd.f32 v6, v8  }
0x22b: {  	v18 =	vmul.f32 v1, v17;
	v5 =	vadd.f32 v5, v7  }
0x22c: {  	v4 =	vadd.f32 v4, v6  }
0x22d: {  	v5 =	vadd.f32 v18, v5  }
0x22e: {  	v3 =	vadd.f32 v3, v4  }
0x22f: {  	(xrf2) =	vadd.scan.msk.f32 $0xffff, v5  }
0x230: {  	(xrf2) =	vadd.scan.msk.f32 $0xffff, v3;
	_ =	sdelay $0x1  }
0x231: {  	v3 =	vmov s17  }
0x232: {  	v3 =	vand.u32 $0xFFFFFFFE, v3  }
0x233: {  	v3 =	vbroadcast v3, $0x0  }
0x234: {  	s31 =	sadd.s32 $0x1, s17  }
0x235: {  	v19 =	vmov s31;
	_ =	sdelay $0x2  }
0x236: {  	v5, _, _ =	vpop (xrf2)  }
0x237: {  	[tilespmem:v3+s13+$0x0] =	vst.idx.msk vm0, v5;
	v3, _, _ =	vpop (xrf2)  }
0x238: {  	[tilespmem:v19+s13+$0x0] =	vst.idx.msk vm0, v3  }
0x239: {  	v3 =	vld [tilespmem:$0xD800]  }
0x23a: {  	v4 =	vld [tilespmem:$0xD810]  }
0x23b: {  	v20 =	vld [tilespmem:$0xD830]  }
0x23c: {  	v5 =	vld [tilespmem:$0xD820]  }
0x23d: {  	v22 =	vld [tilespmem:$0xD850]  }
0x23e: {  	v21 =	vld [tilespmem:$0xD840];
	v3 =	vmul.f32 $4.999999890e-03, v3  }
0x23f: {  	v24 =	vld [tilespmem:$0xD870];
	v4 =	vmul.f32 $4.999999890e-03, v4  }
0x240: {  	v23 =	vld [tilespmem:$0xD860];
	v25 =	vmul.f32 $4.999999890e-03, v20;
	[tilespmem:$0xD800] =	vst v3  }
0x241: {  	v27 =	vld [tilespmem:$0xD890];
	v3 =	vmul.f32 $4.999999890e-03, v5;
	[tilespmem:$0xD810] =	vst v4  }
0x242: {  	v26 =	vld [tilespmem:$0xD880];
	v28 =	vmul.f32 $4.999999890e-03, v22;
	[tilespmem:$0xD830] =	vst v25  }
0x243: {  	v30 =	vld [tilespmem:$0xD8B0];
	[tilespmem:$0xD820] =	vst v3;
	v3 =	vmul.f32 $4.999999890e-03, v21  }
0x244: {  	v29 =	vld [tilespmem:$0xD8A0];
	v31 =	vmul.f32 $4.999999890e-03, v24;
	[tilespmem:$0xD850] =	vst v28  }
0x245: {  	v33 =	vld [tilespmem:$0xD8D0];
	[tilespmem:$0xD840] =	vst v3;
	v3 =	vmul.f32 $4.999999890e-03, v23  }
0x246: {  	v32 =	vld [tilespmem:$0xD8C0];
	v34 =	vmul.f32 $4.999999890e-03, v27;
	[tilespmem:$0xD870] =	vst v31  }
0x247: {  	v36 =	vld [tilespmem:$0xD8F0];
	[tilespmem:$0xD860] =	vst v3;
	v3 =	vmul.f32 $4.999999890e-03, v26  }
0x248: {  	v35 =	vld [tilespmem:$0xD8E0];
	v37 =	vmul.f32 $4.999999890e-03, v30;
	[tilespmem:$0xD890] =	vst v34  }
0x249: {  	v39 =	vld [tilespmem:$0xD910];
	[tilespmem:$0xD880] =	vst v3;
	v3 =	vmul.f32 $4.999999890e-03, v29  }
0x24a: {  	v38 =	vld [tilespmem:$0xD900];
	v40 =	vmul.f32 $4.999999890e-03, v33;
	[tilespmem:$0xD8B0] =	vst v37  }
0x24b: {  	v42 =	vld [tilespmem:$0xD930];
	[tilespmem:$0xD8A0] =	vst v3;
	v3 =	vmul.f32 $4.999999890e-03, v32  }
0x24c: {  	v41 =	vld [tilespmem:$0xD920];
	v43 =	vmul.f32 $4.999999890e-03, v36;
	[tilespmem:$0xD8D0] =	vst v40  }
0x24d: {  	v45 =	vld [tilespmem:$0xD950];
	[tilespmem:$0xD8C0] =	vst v3;
	v3 =	vmul.f32 $4.999999890e-03, v35  }
0x24e: {  	v44 =	vld [tilespmem:$0xD940];
	v46 =	vmul.f32 $4.999999890e-03, v39;
	[tilespmem:$0xD8F0] =	vst v43  }
0x24f: {  	v48 =	vld [tilespmem:$0xD970];
	[tilespmem:$0xD8E0] =	vst v3;
	v3 =	vmul.f32 $4.999999890e-03, v38  }
0x250: {  	v47 =	vld [tilespmem:$0xD960];
	v49 =	vmul.f32 $4.999999890e-03, v42;
	[tilespmem:$0xD910] =	vst v46  }
0x251: {  	v51 =	vld [tilespmem:$0xD990];
	[tilespmem:$0xD900] =	vst v3;
	v3 =	vmul.f32 $4.999999890e-03, v41  }
0x252: {  	v50 =	vld [tilespmem:$0xD980];
	v52 =	vmul.f32 $4.999999890e-03, v45;
	[tilespmem:$0xD930] =	vst v49  }
0x253: {  	v54 =	vld [tilespmem:$0xD9B0];
	[tilespmem:$0xD920] =	vst v3;
	v3 =	vmul.f32 $4.999999890e-03, v44  }
0x254: {  	v53 =	vld [tilespmem:$0xD9A0];
	v55 =	vmul.f32 $4.999999890e-03, v48;
	[tilespmem:$0xD950] =	vst v52  }
0x255: {  	v57 =	vld [tilespmem:$0xD9D0];
	[tilespmem:$0xD940] =	vst v3;
	v3 =	vmul.f32 $4.999999890e-03, v47  }
0x256: {  	v56 =	vld [tilespmem:$0xD9C0];
	v58 =	vmul.f32 $4.999999890e-03, v51;
	[tilespmem:$0xD970] =	vst v55  }
0x257: {  	v60 =	vld [tilespmem:$0xD9F0];
	[tilespmem:$0xD960] =	vst v3;
	v3 =	vmul.f32 $4.999999890e-03, v50  }
0x258: {  	v59 =	vld [tilespmem:$0xD9E0];
	v61 =	vmul.f32 $4.999999890e-03, v54;
	[tilespmem:$0xD990] =	vst v58  }
0x259: {  	[tilespmem:$0xD980] =	vst v3;
	v3 =	vmul.f32 $4.999999890e-03, v53  }
0x25a: {  	v62 =	vmul.f32 $4.999999890e-03, v57;
	[tilespmem:$0xD9B0] =	vst v61  }
0x25b: {  	[tilespmem:$0xD9A0] =	vst v3;
	v3 =	vmul.f32 $4.999999890e-03, v56  }
0x25c: {  	v63 =	vmul.f32 $4.999999890e-03, v60;
	[tilespmem:$0xD9D0] =	vst v62  }
0x25d: {  	s16 =	sadd.s32 $0x1, s16;
	[tilespmem:$0xD9C0] =	vst v3;
	v3 =	vmul.f32 $4.999999890e-03, v59  }
0x25e: {  	p0 =	sne.s32 s16, s9;
	[tilespmem:$0xD9F0] =	vst v63  }
.Ltmp4:
0x25f: {  	[tilespmem:$0xD9E0] =	vst v3;
	(pc) =	sbr.rel @p0 .LBB2_1-.Ltmp4, $4  }
0x260: {  	[hbm4b:s8+s2] =	stream.linear.scatter [tilespmem:s13], [sflag:$0x3], $0x200, $0x38;
	[tilespmem:$0xDA00] =	vst v63  }
0x261: {  	_ =	swait.ge [sflag:s11], $0x200  }
0x262: {  	[sflag:s11] =	ssyncset.done $0x0  }
0x263: {  	[sflag:s11] =	ssyncadd.s32 $0xFFFFFE00  }
0x264: {  	_ =	sfence.sel $0x180000  }
0x265: {  	[bflag:$0x0] =	sbarrier.arrive $0xFFFF  }
0x266: {  	p0 =	sne.s32 s0, $0x0;
	_ =	strace $0x90000047  }
0x267: {  	s0 =	sadd.s32 @!p0 $0x100000, s1;
	[bflag:$0x2] =	sbarrier.arrive $0xFFFF  }
0x268: {  	[sflag:s0] =	ssyncadd.tile.s32 @!p0 $0x1;
	_ =	shalt  }
.Lfunc_end2:
_tile_overlayer_lowered:
.L_overlay_start_2:
0x269: {  	(tag) =	ssettag $0x2  }
0x26a: {  	s0 =	rddreg [dreg:$0x0];
	s2 =	stileid.u32  }
0x26b: {  	s1 =	rddreg [dreg:$0x1];
	p0 =	sne.s32 s2, $0x0  }
0x26c: {  	s3 =	rddreg [dreg:$0x2];
	[bflag:$0x3] =	sbarrier.arrive $0xFFFF;
	s2 =	simm.s32 @!p0 $0x1C03  }
0x26d: {  	[timem:s3], [sflag:s2] =	dma.local @!p0 [hbm:s0], s1  }
0x26e: {  	s0 =	simm.s32 @!p0 $0x3  }
0x26f: {  	_ =	swait.ge @!p0 [sflag:s0], s1  }
0x270: {  	s1 =	ssub.s32 @!p0 $0x0, s1;
	[sflag:s0] =	ssyncset.done @!p0 $0x0  }
0x271: {  	[sflag:s0] =	ssyncadd.s32 @!p0 s1  }
0x272: {  	[bflag:$0x3] =	sbarrier.arrive $0xFFFF  }
0x273: {  	_ =	shalt  }

</sc_bundles>
